<compile_context>
chip_gen: v7x
topology: tpu7x:2x2x1
jax: 0.10.2.dev20260603
libtpu: 0.0.44.dev20260713+nightly
codegen_flags: <defaults>
</compile_context>

<pallas_src>
import functools

import jax
import jax.numpy as jnp
from jax import lax
from jax.experimental import pallas as pl
from jax.experimental.pallas import tpu as pltpu
from jax.experimental.pallas import tpu_sc as plsc

VOCAB = 1000000
EMBED = 64
B = 16384
H1 = 128
H2 = 64

_NC = 2
_NS = 16
_NW = _NC * _NS
_BPW = B // _NW
_IC = _BPW // 128

_TW = 8192


def _transpose_body(et_ref, out_ref):
    out_ref[...] = et_ref[...].T


def _transpose_table(embt):
    grid = (VOCAB + _TW - 1) // _TW
    return pl.pallas_call(
        _transpose_body,
        grid=(grid,),
        in_specs=[pl.BlockSpec((EMBED, _TW), lambda i: (0, i))],
        out_specs=pl.BlockSpec((_TW, EMBED), lambda i: (i, 0)),
        out_shape=jax.ShapeDtypeStruct((VOCAB, EMBED), jnp.float32),
    )(embt)


def _make_sc_gather():
    mesh = plsc.VectorSubcoreMesh(core_axis_name="c", subcore_axis_name="s")

    @functools.partial(
        pl.kernel,
        mesh=mesh,
        out_type=(
            jax.ShapeDtypeStruct((B, EMBED), jnp.float32),
            jax.ShapeDtypeStruct((B // 128, 128), jnp.float32),
        ),
        scratch_types=[
            pltpu.VMEM((_BPW // 16, 16), jnp.int32),
            pltpu.VMEM((_IC, 128), jnp.int32),
            pltpu.VMEM((_BPW, EMBED), jnp.float32),
            pltpu.VMEM((_IC, 128), jnp.float32),
            pltpu.SemaphoreType.DMA,
            pltpu.SemaphoreType.DMA,
        ],
    )
    def gather_kernel(idx16_hbm, idxr_hbm, emb_hbm, fcw_hbm, rows_out,
                      lin_out, idx16_v, idxr_v, rows_v, lin_v, sem_rows,
                      sem_lin):
        wid = lax.axis_index("s") * _NC + lax.axis_index("c")
        base = wid * _BPW
        pltpu.sync_copy(idx16_hbm.at[pl.ds(wid * (_BPW // 16), _BPW // 16)],
                        idx16_v)
        pltpu.sync_copy(idxr_hbm.at[pl.ds(wid * _IC, _IC)], idxr_v)
        fc_copies = []
        for j in range(_IC):
            fc_copies.append(pltpu.async_copy(
                fcw_hbm.at[idxr_v.at[j]], lin_v.at[j], sem_lin))
        def fire(g, carry):
            v = idx16_v[g]
            for l in range(16):
                row = v[l]
                pltpu.async_copy(emb_hbm.at[pl.ds(row, 1)],
                                 rows_v.at[pl.ds(g * 16 + l, 1)], sem_rows)
            return carry
        lax.fori_loop(0, _BPW // 16, fire, 0)
        pltpu.make_async_copy(emb_hbm.at[pl.ds(0, _BPW)], rows_v,
                              sem_rows).wait()
        pltpu.sync_copy(rows_v, rows_out.at[pl.ds(base, _BPW)])
        for cp in fc_copies:
            cp.wait()
        pltpu.sync_copy(lin_v, lin_out.at[pl.ds(wid * _IC, _IC)])

    return gather_kernel


_sc_gather = _make_sc_gather()


def _mlp_body(e_ref, linv_ref, w1t_ref, g1_ref, be1_ref,
              w2t_ref, g2_ref, be2_ref, wo_ref, c_ref, out_ref):
    e = e_ref[...]
    z1 = jnp.dot(e, w1t_ref[...], preferred_element_type=jnp.float32)
    m1 = jnp.mean(z1, axis=0, keepdims=True)
    v1 = jnp.mean(z1 * z1, axis=0, keepdims=True) - m1 * m1
    a1 = jnp.maximum(
        (z1 - m1) * lax.rsqrt(v1 + 1e-5) * g1_ref[...] + be1_ref[...], 0.0)
    z2 = jnp.dot(a1, w2t_ref[...], preferred_element_type=jnp.float32)
    m2 = jnp.mean(z2, axis=0, keepdims=True)
    v2 = jnp.mean(z2 * z2, axis=0, keepdims=True) - m2 * m2
    a2 = jnp.maximum(
        (z2 - m2) * lax.rsqrt(v2 + 1e-5) * g2_ref[...] + be2_ref[...], 0.0)
    mlp = jnp.sum(a2 * wo_ref[...], axis=1, keepdims=True)
    out_ref[...] = jax.nn.sigmoid(linv_ref[...] + mlp + c_ref[0])


def kernel(x, emb, fc_w, fc_b, w1, b1, g1, be1, w2, b2, g2, be2, wo, bo):
    xi = x.astype(jnp.int32)
    idx16 = jnp.reshape(xi, (B // 16, 16))
    idxr = jnp.reshape(xi, (B // 128, 128))
    emb_rm = _transpose_table(emb.T)
    e, lin2d = _sc_gather(idx16, idxr, emb_rm, jnp.reshape(fc_w, (VOCAB,)))
    lin = jnp.reshape(lin2d, (B, 1))
    c = (fc_b + bo).astype(jnp.float32)
    out2d = pl.pallas_call(
        _mlp_body,
        out_shape=jax.ShapeDtypeStruct((B, 1), jnp.float32),
        in_specs=[pl.BlockSpec()] * 9
        + [pl.BlockSpec(memory_space=pltpu.SMEM)],
    )(e, lin, w1.T, jnp.reshape(g1, (1, H1)), jnp.reshape(be1, (1, H1)),
      w2.T, jnp.reshape(g2, (1, H2)), jnp.reshape(be2, (1, H2)),
      jnp.reshape(wo, (1, H2)), c)
    return jnp.reshape(out2d, (B,))

# --- scband reference (transcript-rebuilt; emitter-appended) ---
"""Pipeline reference for scband-deep-factorization-machine-model-41145786696209 (READ-ONLY COPY).

The authoritative reference and input builder live on the scoring server;
editing this copy changes nothing except your own understanding.
"""

import jax, jax.numpy as jnp
import numpy as np

VOCAB = 1000000
EMBED = 64
B = 16384
H1 = 128
H2 = 64


def _xavier_uniform(key, shape):
    fan_out, fan_in = shape[0], shape[1]
    limit = float(np.sqrt(6.0 / (fan_in + fan_out)))
    return jax.random.uniform(key, shape, minval=-limit, maxval=limit, dtype=jnp.float32)


def _xavier_normal(key, shape):
    fan_out, fan_in = shape[0], shape[1]
    std = float(np.sqrt(2.0 / (fan_in + fan_out)))
    return std * jax.random.normal(key, shape, dtype=jnp.float32)


def setup_inputs(seed: int = 0) -> dict:
    key = jax.random.key(seed)
    ks = jax.random.split(key, 16)
    x = jax.random.randint(ks[0], (B, 1), 0, VOCAB, dtype=jnp.int64 if jax.config.read('jax_enable_x64') else jnp.int32)
    # FeaturesEmbedding: xavier_uniform on rows 1:, padding_idx=0 row zeroed
    emb = _xavier_uniform(ks[1], (VOCAB, EMBED))
    emb = emb.at[0].set(0.0)
    # FeaturesLinear: default Embedding init N(0,1), padding row zeroed
    fc_w = jax.random.normal(ks[2], (VOCAB, 1), dtype=jnp.float32)
    fc_w = fc_w.at[0].set(0.0)
    fc_b = jnp.zeros((1,), dtype=jnp.float32)
    # MLP: Linear(EMBED->H1), BN(H1), ReLU, Linear(H1->H2), BN(H2), ReLU, Linear(H2->1)
    w1 = _xavier_normal(ks[3], (H1, EMBED))
    b1 = jax.random.uniform(ks[4], (H1,), minval=-1.0 / np.sqrt(EMBED), maxval=1.0 / np.sqrt(EMBED), dtype=jnp.float32)
    g1 = jnp.ones((H1,), dtype=jnp.float32)
    be1 = jnp.zeros((H1,), dtype=jnp.float32)
    w2 = _xavier_normal(ks[5], (H2, H1))
    b2 = jax.random.uniform(ks[6], (H2,), minval=-1.0 / np.sqrt(H1), maxval=1.0 / np.sqrt(H1), dtype=jnp.float32)
    g2 = jnp.ones((H2,), dtype=jnp.float32)
    be2 = jnp.zeros((H2,), dtype=jnp.float32)
    wo = _xavier_normal(ks[7], (1, H2))
    bo = jax.random.uniform(ks[8], (1,), minval=-1.0 / np.sqrt(H2), maxval=1.0 / np.sqrt(H2), dtype=jnp.float32)
    return {"x": x, "emb": emb, "fc_w": fc_w, "fc_b": fc_b,
            "w1": w1, "b1": b1, "g1": g1, "be1": be1,
            "w2": w2, "b2": b2, "g2": g2, "be2": be2,
            "wo": wo, "bo": bo}


def _batchnorm(h, g, b):
    # torch BatchNorm1d in training mode: biased batch statistics, eps=1e-5
    m = jnp.mean(h, axis=0)
    v = jnp.var(h, axis=0)
    return (h - m) / jnp.sqrt(v + 1e-5) * g + b


def reference(x, emb, fc_w, fc_b, w1, b1, g1, be1, w2, b2, g2, be2, wo, bo):
    # FeaturesEmbedding: gather rows (memory-bound embedding lookup)
    embed_x = jnp.take(emb, x, axis=0)              # (B, 1, EMBED)
    # FeaturesLinear
    lin = jnp.sum(jnp.take(fc_w, x, axis=0), axis=1) + fc_b   # (B, 1)
    # FactorizationMachine(reduce_sum=True)
    square_of_sum = jnp.sum(embed_x, axis=1) ** 2
    sum_of_square = jnp.sum(embed_x ** 2, axis=1)
    fm = 0.5 * jnp.sum(square_of_sum - sum_of_square, axis=1, keepdims=True)  # (B, 1)
    # MLP on mean-pooled embedding
    h = jnp.mean(embed_x, axis=1)                   # (B, EMBED)
    h = jax.nn.relu(_batchnorm(h @ w1.T + b1, g1, be1))
    h = jax.nn.relu(_batchnorm(h @ w2.T + b2, g2, be2))
    mlp = h @ wo.T + bo                             # (B, 1)
    out = jax.nn.sigmoid(jnp.squeeze(lin + fm + mlp, axis=1))  # (B,)
    return out

if __name__ == "__main__":
    import jax
    _d = setup_inputs()
    print(jax.jit(kernel)(*tuple(_d.values())))

</pallas_src>

<mosaic_0001>
#map = affine_map<(d0, d1) -> (0, 0)>
#map1 = affine_map<(d0, d1) -> (0)>
module attributes {stable_mosaic.version = 14 : i64} {
  func.func @gather_kernel(%arg0: i32, %arg1: i32, %arg2: memref<1024x16xi32, #tpu.memory_space<hbm>>, %arg3: memref<128x128xi32, #tpu.memory_space<hbm>>, %arg4: memref<1000000x64xf32, #tpu.memory_space<hbm>>, %arg5: memref<1000000xf32, #tpu.memory_space<hbm>>, %arg6: memref<16384x64xf32, #tpu.memory_space<hbm>>, %arg7: memref<128x128xf32, #tpu.memory_space<hbm>>, %arg8: memref<32x16xi32, #tpu.memory_space<vmem>>, %arg9: memref<4x128xi32, #tpu.memory_space<vmem>>, %arg10: memref<512x64xf32, #tpu.memory_space<vmem>>, %arg11: memref<4x128xf32, #tpu.memory_space<vmem>>, %arg12: memref<!tpu.dma_semaphore, #tpu.memory_space<semaphore_mem>>, %arg13: memref<!tpu.dma_semaphore, #tpu.memory_space<semaphore_mem>>) attributes {dimension_semantics = [#tpu.dimension_semantics<core_parallel>, #tpu.dimension_semantics<subcore_parallel>], iteration_bounds = array<i64: 2, 16>, scalar_prefetch = 0 : i64, scratch_operands = 6 : i64, tpu.core_type = #tpu.core_type<sc_vector_subcore>, window_params = [{transform_indices = #map}, {transform_indices = #map}, {transform_indices = #map}, {transform_indices = #map1}, {transform_indices = #map}, {transform_indices = #map}]} {
    %mul3A = arith.constant 2 : i32
    %mul3A_0 = arith.muli %arg1, %mul3A : i32
    %add3A = arith.addi %mul3A_0, %arg0 : i32
    %mul3A_1 = arith.constant 512 : i32
    %mul3A_2 = arith.muli %add3A, %mul3A_1 : i32
    %mul3A_3 = arith.constant 32 : i32
    %mul3A_4 = arith.muli %add3A, %mul3A_3 : i32
    "tpu.region"() ({
      %run_scoped3A = tpu.sem_alloc : memref<!tpu.dma_semaphore, #tpu.memory_space<semaphore_mem>>
      %dma_start3A_98 = arith.constant 0 : i32
      %dma_start3A_99 = tpu.memref_slice %arg2[%mul3A_4, %dma_start3A_98] : memref<1024x16xi32, #tpu.memory_space<hbm>> -> memref<32x16xi32, #tpu.memory_space<hbm>>
      %dma_start3A_100 = arith.constant 0 : i32
      %dma_start3A_101 = tpu.memref_slice %arg2[%mul3A_4, %dma_start3A_100] : memref<1024x16xi32, #tpu.memory_space<hbm>> -> memref<32x16xi32, #tpu.memory_space<hbm>>
      tpu.enqueue_dma source(%dma_start3A_101 : memref<32x16xi32, #tpu.memory_space<hbm>>) target(%arg8 : memref<32x16xi32, #tpu.memory_space<vmem>>) target_semaphore(%run_scoped3A : memref<!tpu.dma_semaphore, #tpu.memory_space<semaphore_mem>>)
      %dma_wait3A_102 = arith.constant 0 : i32
      %dma_wait3A_103 = tpu.memref_slice %arg2[%mul3A_4, %dma_wait3A_102] : memref<1024x16xi32, #tpu.memory_space<hbm>> -> memref<32x16xi32, #tpu.memory_space<hbm>>
      %dma_wait3A_104 = arith.constant 0 : i32
      %dma_wait3A_105 = tpu.memref_slice %arg2[%mul3A_4, %dma_wait3A_104] : memref<1024x16xi32, #tpu.memory_space<hbm>> -> memref<32x16xi32, #tpu.memory_space<hbm>>
      tpu.wait_dma2 semaphore(%run_scoped3A : memref<!tpu.dma_semaphore, #tpu.memory_space<semaphore_mem>>) src(%dma_wait3A_105 : memref<32x16xi32, #tpu.memory_space<hbm>>) dst(%arg8 : memref<32x16xi32, #tpu.memory_space<vmem>>)
      tpu.yield
    }) : () -> ()
    %mul3A_5 = arith.constant 4 : i32
    %mul3A_6 = arith.muli %add3A, %mul3A_5 : i32
    "tpu.region"() ({
      %run_scoped3A = tpu.sem_alloc : memref<!tpu.dma_semaphore, #tpu.memory_space<semaphore_mem>>
      %dma_start3A_98 = arith.constant 0 : i32
      %dma_start3A_99 = tpu.memref_slice %arg3[%mul3A_6, %dma_start3A_98] : memref<128x128xi32, #tpu.memory_space<hbm>> -> memref<4x128xi32, #tpu.memory_space<hbm>>
      %dma_start3A_100 = arith.constant 0 : i32
      %dma_start3A_101 = tpu.memref_slice %arg3[%mul3A_6, %dma_start3A_100] : memref<128x128xi32, #tpu.memory_space<hbm>> -> memref<4x128xi32, #tpu.memory_space<hbm>>
      tpu.enqueue_dma source(%dma_start3A_101 : memref<4x128xi32, #tpu.memory_space<hbm>>) target(%arg9 : memref<4x128xi32, #tpu.memory_space<vmem>>) target_semaphore(%run_scoped3A : memref<!tpu.dma_semaphore, #tpu.memory_space<semaphore_mem>>)
      %dma_wait3A_102 = arith.constant 0 : i32
      %dma_wait3A_103 = tpu.memref_slice %arg3[%mul3A_6, %dma_wait3A_102] : memref<128x128xi32, #tpu.memory_space<hbm>> -> memref<4x128xi32, #tpu.memory_space<hbm>>
      %dma_wait3A_104 = arith.constant 0 : i32
      %dma_wait3A_105 = tpu.memref_slice %arg3[%mul3A_6, %dma_wait3A_104] : memref<128x128xi32, #tpu.memory_space<hbm>> -> memref<4x128xi32, #tpu.memory_space<hbm>>
      tpu.wait_dma2 semaphore(%run_scoped3A : memref<!tpu.dma_semaphore, #tpu.memory_space<semaphore_mem>>) src(%dma_wait3A_105 : memref<4x128xi32, #tpu.memory_space<hbm>>) dst(%arg9 : memref<4x128xi32, #tpu.memory_space<vmem>>)
      tpu.yield
    }) : () -> ()
    %dma_start3A = arith.constant 0 : i32
    %dma_start3A_7 = arith.constant 0 : i32
    %dma_start3A_8 = arith.constant 0 : i32
    %dma_start3A_9 = tpu.memref_slice %arg11[%dma_start3A_7, %dma_start3A_8] : memref<4x128xf32, #tpu.memory_space<vmem>> -> memref<1x128xf32, #tpu.memory_space<vmem>>
    %dma_start3A_10 = tpu.memref_squeeze %dma_start3A_9 : memref<1x128xf32, #tpu.memory_space<vmem>> -> memref<128xf32, #tpu.memory_space<vmem>>
    %dma_start3A_11 = arith.constant 0 : i32
    %dma_start3A_12 = tpu.memref_slice %arg9[%dma_start3A, %dma_start3A_11] : memref<4x128xi32, #tpu.memory_space<vmem>> -> memref<1x128xi32, #tpu.memory_space<vmem>>
    %dma_start3A_13 = tpu.memref_squeeze %dma_start3A_12 : memref<1x128xi32, #tpu.memory_space<vmem>> -> memref<128xi32, #tpu.memory_space<vmem>>
    %dma_start3A_14 = arith.constant 0 : i32
    %dma_start3A_15 = tpu.memref_slice %arg5[%dma_start3A_14] : memref<1000000xf32, #tpu.memory_space<hbm>> -> memref<1000000xf32, #tpu.memory_space<hbm>>
    tpu.enqueue_indirect_dma source(%dma_start3A_15 : memref<1000000xf32, #tpu.memory_space<hbm>>) target(%dma_start3A_10 : memref<128xf32, #tpu.memory_space<vmem>>) offsets(%dma_start3A_13 : memref<128xi32, #tpu.memory_space<vmem>>) semaphore(%arg13 : memref<!tpu.dma_semaphore, #tpu.memory_space<semaphore_mem>>)
    %dma_start3A_16 = arith.constant 1 : i32
    %dma_start3A_17 = arith.constant 1 : i32
    %dma_start3A_18 = arith.constant 0 : i32
    %dma_start3A_19 = tpu.memref_slice %arg11[%dma_start3A_17, %dma_start3A_18] : memref<4x128xf32, #tpu.memory_space<vmem>> -> memref<1x128xf32, #tpu.memory_space<vmem>>
    %dma_start3A_20 = tpu.memref_squeeze %dma_start3A_19 : memref<1x128xf32, #tpu.memory_space<vmem>> -> memref<128xf32, #tpu.memory_space<vmem>>
    %dma_start3A_21 = arith.constant 0 : i32
    %dma_start3A_22 = tpu.memref_slice %arg9[%dma_start3A_16, %dma_start3A_21] : memref<4x128xi32, #tpu.memory_space<vmem>> -> memref<1x128xi32, #tpu.memory_space<vmem>>
    %dma_start3A_23 = tpu.memref_squeeze %dma_start3A_22 : memref<1x128xi32, #tpu.memory_space<vmem>> -> memref<128xi32, #tpu.memory_space<vmem>>
    %dma_start3A_24 = arith.constant 0 : i32
    %dma_start3A_25 = tpu.memref_slice %arg5[%dma_start3A_24] : memref<1000000xf32, #tpu.memory_space<hbm>> -> memref<1000000xf32, #tpu.memory_space<hbm>>
    tpu.enqueue_indirect_dma source(%dma_start3A_25 : memref<1000000xf32, #tpu.memory_space<hbm>>) target(%dma_start3A_20 : memref<128xf32, #tpu.memory_space<vmem>>) offsets(%dma_start3A_23 : memref<128xi32, #tpu.memory_space<vmem>>) semaphore(%arg13 : memref<!tpu.dma_semaphore, #tpu.memory_space<semaphore_mem>>)
    %dma_start3A_26 = arith.constant 2 : i32
    %dma_start3A_27 = arith.constant 2 : i32
    %dma_start3A_28 = arith.constant 0 : i32
    %dma_start3A_29 = tpu.memref_slice %arg11[%dma_start3A_27, %dma_start3A_28] : memref<4x128xf32, #tpu.memory_space<vmem>> -> memref<1x128xf32, #tpu.memory_space<vmem>>
    %dma_start3A_30 = tpu.memref_squeeze %dma_start3A_29 : memref<1x128xf32, #tpu.memory_space<vmem>> -> memref<128xf32, #tpu.memory_space<vmem>>
    %dma_start3A_31 = arith.constant 0 : i32
    %dma_start3A_32 = tpu.memref_slice %arg9[%dma_start3A_26, %dma_start3A_31] : memref<4x128xi32, #tpu.memory_space<vmem>> -> memref<1x128xi32, #tpu.memory_space<vmem>>
    %dma_start3A_33 = tpu.memref_squeeze %dma_start3A_32 : memref<1x128xi32, #tpu.memory_space<vmem>> -> memref<128xi32, #tpu.memory_space<vmem>>
    %dma_start3A_34 = arith.constant 0 : i32
    %dma_start3A_35 = tpu.memref_slice %arg5[%dma_start3A_34] : memref<1000000xf32, #tpu.memory_space<hbm>> -> memref<1000000xf32, #tpu.memory_space<hbm>>
    tpu.enqueue_indirect_dma source(%dma_start3A_35 : memref<1000000xf32, #tpu.memory_space<hbm>>) target(%dma_start3A_30 : memref<128xf32, #tpu.memory_space<vmem>>) offsets(%dma_start3A_33 : memref<128xi32, #tpu.memory_space<vmem>>) semaphore(%arg13 : memref<!tpu.dma_semaphore, #tpu.memory_space<semaphore_mem>>)
    %dma_start3A_36 = arith.constant 3 : i32
    %dma_start3A_37 = arith.constant 3 : i32
    %dma_start3A_38 = arith.constant 0 : i32
    %dma_start3A_39 = tpu.memref_slice %arg11[%dma_start3A_37, %dma_start3A_38] : memref<4x128xf32, #tpu.memory_space<vmem>> -> memref<1x128xf32, #tpu.memory_space<vmem>>
    %dma_start3A_40 = tpu.memref_squeeze %dma_start3A_39 : memref<1x128xf32, #tpu.memory_space<vmem>> -> memref<128xf32, #tpu.memory_space<vmem>>
    %dma_start3A_41 = arith.constant 0 : i32
    %dma_start3A_42 = tpu.memref_slice %arg9[%dma_start3A_36, %dma_start3A_41] : memref<4x128xi32, #tpu.memory_space<vmem>> -> memref<1x128xi32, #tpu.memory_space<vmem>>
    %dma_start3A_43 = tpu.memref_squeeze %dma_start3A_42 : memref<1x128xi32, #tpu.memory_space<vmem>> -> memref<128xi32, #tpu.memory_space<vmem>>
    %dma_start3A_44 = arith.constant 0 : i32
    %dma_start3A_45 = tpu.memref_slice %arg5[%dma_start3A_44] : memref<1000000xf32, #tpu.memory_space<hbm>> -> memref<1000000xf32, #tpu.memory_space<hbm>>
    tpu.enqueue_indirect_dma source(%dma_start3A_45 : memref<1000000xf32, #tpu.memory_space<hbm>>) target(%dma_start3A_40 : memref<128xf32, #tpu.memory_space<vmem>>) offsets(%dma_start3A_43 : memref<128xi32, #tpu.memory_space<vmem>>) semaphore(%arg13 : memref<!tpu.dma_semaphore, #tpu.memory_space<semaphore_mem>>)
    %scan3A = arith.constant 0 : i32
    %scan3A_46 = arith.constant 0 : i32
    %scan3A_47 = arith.constant 32 : i32
    %scan3A_48 = arith.addi %scan3A_46, %scan3A_47 : i32
    %scan3A_49 = arith.constant 1 : i32
    scf.for %scan3A_98 = %scan3A_46 to %scan3A_48 step %scan3A_49  : i32 {
      %get3A = arith.index_cast %scan3A_98 : i32 to index
      %get3A_99 = arith.constant 0 : index
      %get3A_100 = tpu.vector_load %arg8[%get3A, %get3A_99] {strides = array<i32>} : memref<32x16xi32, #tpu.memory_space<vmem>>, vector<1x16xi32>,
      %get3A_101 = vector.shape_cast %get3A_100 : vector<1x16xi32> to vector<16xi32>
      %slice3A = vector.extract_strided_slice %get3A_101 {offsets = [0], sizes = [1], strides = [1]} : vector<16xi32> to vector<1xi32>
      %squeeze3A = vector.extract %slice3A[0] : i32 from vector<1xi32>
      %mul3A_102 = arith.constant 16 : i32
      %mul3A_103 = arith.muli %scan3A_98, %mul3A_102 : i32
      %add3A_104 = arith.constant 0 : i32
      %add3A_105 = arith.addi %mul3A_103, %add3A_104 : i32
      %dma_start3A_106 = arith.constant 0 : i32
      %dma_start3A_107 = tpu.memref_slice %arg10[%add3A_105, %dma_start3A_106] : memref<512x64xf32, #tpu.memory_space<vmem>> -> memref<1x64xf32, #tpu.memory_space<vmem>>
      %dma_start3A_108 = arith.constant 0 : i32
      %dma_start3A_109 = tpu.memref_slice %arg4[%squeeze3A, %dma_start3A_108] : memref<1000000x64xf32, #tpu.memory_space<hbm>> -> memref<1x64xf32, #tpu.memory_space<hbm>>
      %dma_start3A_110 = arith.constant 0 : i32
      %dma_start3A_111 = tpu.memref_slice %arg10[%add3A_105, %dma_start3A_110] : memref<512x64xf32, #tpu.memory_space<vmem>> -> memref<1x64xf32, #tpu.memory_space<vmem>>
      %dma_start3A_112 = arith.constant 0 : i32
      %dma_start3A_113 = tpu.memref_slice %arg4[%squeeze3A, %dma_start3A_112] : memref<1000000x64xf32, #tpu.memory_space<hbm>> -> memref<1x64xf32, #tpu.memory_space<hbm>>
      tpu.enqueue_dma source(%dma_start3A_113 : memref<1x64xf32, #tpu.memory_space<hbm>>) target(%dma_start3A_111 : memref<1x64xf32, #tpu.memory_space<vmem>>) target_semaphore(%arg12 : memref<!tpu.dma_semaphore, #tpu.memory_space<semaphore_mem>>)
      %slice3A_114 = vector.extract_strided_slice %get3A_101 {offsets = [1], sizes = [1], strides = [1]} : vector<16xi32> to vector<1xi32>
      %squeeze3A_115 = vector.extract %slice3A_114[0] : i32 from vector<1xi32>
      %mul3A_116 = arith.constant 16 : i32
      %mul3A_117 = arith.muli %scan3A_98, %mul3A_116 : i32
      %add3A_118 = arith.constant 1 : i32
      %add3A_119 = arith.addi %mul3A_117, %add3A_118 : i32
      %dma_start3A_120 = arith.constant 0 : i32
      %dma_start3A_121 = tpu.memref_slice %arg10[%add3A_119, %dma_start3A_120] : memref<512x64xf32, #tpu.memory_space<vmem>> -> memref<1x64xf32, #tpu.memory_space<vmem>>
      %dma_start3A_122 = arith.constant 0 : i32
      %dma_start3A_123 = tpu.memref_slice %arg4[%squeeze3A_115, %dma_start3A_122] : memref<1000000x64xf32, #tpu.memory_space<hbm>> -> memref<1x64xf32, #tpu.memory_space<hbm>>
      %dma_start3A_124 = arith.constant 0 : i32
      %dma_start3A_125 = tpu.memref_slice %arg10[%add3A_119, %dma_start3A_124] : memref<512x64xf32, #tpu.memory_space<vmem>> -> memref<1x64xf32, #tpu.memory_space<vmem>>
      %dma_start3A_126 = arith.constant 0 : i32
      %dma_start3A_127 = tpu.memref_slice %arg4[%squeeze3A_115, %dma_start3A_126] : memref<1000000x64xf32, #tpu.memory_space<hbm>> -> memref<1x64xf32, #tpu.memory_space<hbm>>
      tpu.enqueue_dma source(%dma_start3A_127 : memref<1x64xf32, #tpu.memory_space<hbm>>) target(%dma_start3A_125 : memref<1x64xf32, #tpu.memory_space<vmem>>) target_semaphore(%arg12 : memref<!tpu.dma_semaphore, #tpu.memory_space<semaphore_mem>>)
      %slice3A_128 = vector.extract_strided_slice %get3A_101 {offsets = [2], sizes = [1], strides = [1]} : vector<16xi32> to vector<1xi32>
      %squeeze3A_129 = vector.extract %slice3A_128[0] : i32 from vector<1xi32>
      %mul3A_130 = arith.constant 16 : i32
      %mul3A_131 = arith.muli %scan3A_98, %mul3A_130 : i32
      %add3A_132 = arith.constant 2 : i32
      %add3A_133 = arith.addi %mul3A_131, %add3A_132 : i32
      %dma_start3A_134 = arith.constant 0 : i32
      %dma_start3A_135 = tpu.memref_slice %arg10[%add3A_133, %dma_start3A_134] : memref<512x64xf32, #tpu.memory_space<vmem>> -> memref<1x64xf32, #tpu.memory_space<vmem>>
      %dma_start3A_136 = arith.constant 0 : i32
      %dma_start3A_137 = tpu.memref_slice %arg4[%squeeze3A_129, %dma_start3A_136] : memref<1000000x64xf32, #tpu.memory_space<hbm>> -> memref<1x64xf32, #tpu.memory_space<hbm>>
      %dma_start3A_138 = arith.constant 0 : i32
      %dma_start3A_139 = tpu.memref_slice %arg10[%add3A_133, %dma_start3A_138] : memref<512x64xf32, #tpu.memory_space<vmem>> -> memref<1x64xf32, #tpu.memory_space<vmem>>
      %dma_start3A_140 = arith.constant 0 : i32
      %dma_start3A_141 = tpu.memref_slice %arg4[%squeeze3A_129, %dma_start3A_140] : memref<1000000x64xf32, #tpu.memory_space<hbm>> -> memref<1x64xf32, #tpu.memory_space<hbm>>
      tpu.enqueue_dma source(%dma_start3A_141 : memref<1x64xf32, #tpu.memory_space<hbm>>) target(%dma_start3A_139 : memref<1x64xf32, #tpu.memory_space<vmem>>) target_semaphore(%arg12 : memref<!tpu.dma_semaphore, #tpu.memory_space<semaphore_mem>>)
      %slice3A_142 = vector.extract_strided_slice %get3A_101 {offsets = [3], sizes = [1], strides = [1]} : vector<16xi32> to vector<1xi32>
      %squeeze3A_143 = vector.extract %slice3A_142[0] : i32 from vector<1xi32>
      %mul3A_144 = arith.constant 16 : i32
      %mul3A_145 = arith.muli %scan3A_98, %mul3A_144 : i32
      %add3A_146 = arith.constant 3 : i32
      %add3A_147 = arith.addi %mul3A_145, %add3A_146 : i32
      %dma_start3A_148 = arith.constant 0 : i32
      %dma_start3A_149 = tpu.memref_slice %arg10[%add3A_147, %dma_start3A_148] : memref<512x64xf32, #tpu.memory_space<vmem>> -> memref<1x64xf32, #tpu.memory_space<vmem>>
      %dma_start3A_150 = arith.constant 0 : i32
      %dma_start3A_151 = tpu.memref_slice %arg4[%squeeze3A_143, %dma_start3A_150] : memref<1000000x64xf32, #tpu.memory_space<hbm>> -> memref<1x64xf32, #tpu.memory_space<hbm>>
      %dma_start3A_152 = arith.constant 0 : i32
      %dma_start3A_153 = tpu.memref_slice %arg10[%add3A_147, %dma_start3A_152] : memref<512x64xf32, #tpu.memory_space<vmem>> -> memref<1x64xf32, #tpu.memory_space<vmem>>
      %dma_start3A_154 = arith.constant 0 : i32
      %dma_start3A_155 = tpu.memref_slice %arg4[%squeeze3A_143, %dma_start3A_154] : memref<1000000x64xf32, #tpu.memory_space<hbm>> -> memref<1x64xf32, #tpu.memory_space<hbm>>
      tpu.enqueue_dma source(%dma_start3A_155 : memref<1x64xf32, #tpu.memory_space<hbm>>) target(%dma_start3A_153 : memref<1x64xf32, #tpu.memory_space<vmem>>) target_semaphore(%arg12 : memref<!tpu.dma_semaphore, #tpu.memory_space<semaphore_mem>>)
      %slice3A_156 = vector.extract_strided_slice %get3A_101 {offsets = [4], sizes = [1], strides = [1]} : vector<16xi32> to vector<1xi32>
      %squeeze3A_157 = vector.extract %slice3A_156[0] : i32 from vector<1xi32>
      %mul3A_158 = arith.constant 16 : i32
      %mul3A_159 = arith.muli %scan3A_98, %mul3A_158 : i32
      %add3A_160 = arith.constant 4 : i32
      %add3A_161 = arith.addi %mul3A_159, %add3A_160 : i32
      %dma_start3A_162 = arith.constant 0 : i32
      %dma_start3A_163 = tpu.memref_slice %arg10[%add3A_161, %dma_start3A_162] : memref<512x64xf32, #tpu.memory_space<vmem>> -> memref<1x64xf32, #tpu.memory_space<vmem>>
      %dma_start3A_164 = arith.constant 0 : i32
      %dma_start3A_165 = tpu.memref_slice %arg4[%squeeze3A_157, %dma_start3A_164] : memref<1000000x64xf32, #tpu.memory_space<hbm>> -> memref<1x64xf32, #tpu.memory_space<hbm>>
      %dma_start3A_166 = arith.constant 0 : i32
      %dma_start3A_167 = tpu.memref_slice %arg10[%add3A_161, %dma_start3A_166] : memref<512x64xf32, #tpu.memory_space<vmem>> -> memref<1x64xf32, #tpu.memory_space<vmem>>
      %dma_start3A_168 = arith.constant 0 : i32
      %dma_start3A_169 = tpu.memref_slice %arg4[%squeeze3A_157, %dma_start3A_168] : memref<1000000x64xf32, #tpu.memory_space<hbm>> -> memref<1x64xf32, #tpu.memory_space<hbm>>
      tpu.enqueue_dma source(%dma_start3A_169 : memref<1x64xf32, #tpu.memory_space<hbm>>) target(%dma_start3A_167 : memref<1x64xf32, #tpu.memory_space<vmem>>) target_semaphore(%arg12 : memref<!tpu.dma_semaphore, #tpu.memory_space<semaphore_mem>>)
      %slice3A_170 = vector.extract_strided_slice %get3A_101 {offsets = [5], sizes = [1], strides = [1]} : vector<16xi32> to vector<1xi32>
      %squeeze3A_171 = vector.extract %slice3A_170[0] : i32 from vector<1xi32>
      %mul3A_172 = arith.constant 16 : i32
      %mul3A_173 = arith.muli %scan3A_98, %mul3A_172 : i32
      %add3A_174 = arith.constant 5 : i32
      %add3A_175 = arith.addi %mul3A_173, %add3A_174 : i32
      %dma_start3A_176 = arith.constant 0 : i32
      %dma_start3A_177 = tpu.memref_slice %arg10[%add3A_175, %dma_start3A_176] : memref<512x64xf32, #tpu.memory_space<vmem>> -> memref<1x64xf32, #tpu.memory_space<vmem>>
      %dma_start3A_178 = arith.constant 0 : i32
      %dma_start3A_179 = tpu.memref_slice %arg4[%squeeze3A_171, %dma_start3A_178] : memref<1000000x64xf32, #tpu.memory_space<hbm>> -> memref<1x64xf32, #tpu.memory_space<hbm>>
      %dma_start3A_180 = arith.constant 0 : i32
      %dma_start3A_181 = tpu.memref_slice %arg10[%add3A_175, %dma_start3A_180] : memref<512x64xf32, #tpu.memory_space<vmem>> -> memref<1x64xf32, #tpu.memory_space<vmem>>
      %dma_start3A_182 = arith.constant 0 : i32
      %dma_start3A_183 = tpu.memref_slice %arg4[%squeeze3A_171, %dma_start3A_182] : memref<1000000x64xf32, #tpu.memory_space<hbm>> -> memref<1x64xf32, #tpu.memory_space<hbm>>
      tpu.enqueue_dma source(%dma_start3A_183 : memref<1x64xf32, #tpu.memory_space<hbm>>) target(%dma_start3A_181 : memref<1x64xf32, #tpu.memory_space<vmem>>) target_semaphore(%arg12 : memref<!tpu.dma_semaphore, #tpu.memory_space<semaphore_mem>>)
      %slice3A_184 = vector.extract_strided_slice %get3A_101 {offsets = [6], sizes = [1], strides = [1]} : vector<16xi32> to vector<1xi32>
      %squeeze3A_185 = vector.extract %slice3A_184[0] : i32 from vector<1xi32>
      %mul3A_186 = arith.constant 16 : i32
      %mul3A_187 = arith.muli %scan3A_98, %mul3A_186 : i32
      %add3A_188 = arith.constant 6 : i32
      %add3A_189 = arith.addi %mul3A_187, %add3A_188 : i32
      %dma_start3A_190 = arith.constant 0 : i32
      %dma_start3A_191 = tpu.memref_slice %arg10[%add3A_189, %dma_start3A_190] : memref<512x64xf32, #tpu.memory_space<vmem>> -> memref<1x64xf32, #tpu.memory_space<vmem>>
      %dma_start3A_192 = arith.constant 0 : i32
      %dma_start3A_193 = tpu.memref_slice %arg4[%squeeze3A_185, %dma_start3A_192] : memref<1000000x64xf32, #tpu.memory_space<hbm>> -> memref<1x64xf32, #tpu.memory_space<hbm>>
      %dma_start3A_194 = arith.constant 0 : i32
      %dma_start3A_195 = tpu.memref_slice %arg10[%add3A_189, %dma_start3A_194] : memref<512x64xf32, #tpu.memory_space<vmem>> -> memref<1x64xf32, #tpu.memory_space<vmem>>
      %dma_start3A_196 = arith.constant 0 : i32
      %dma_start3A_197 = tpu.memref_slice %arg4[%squeeze3A_185, %dma_start3A_196] : memref<1000000x64xf32, #tpu.memory_space<hbm>> -> memref<1x64xf32, #tpu.memory_space<hbm>>
      tpu.enqueue_dma source(%dma_start3A_197 : memref<1x64xf32, #tpu.memory_space<hbm>>) target(%dma_start3A_195 : memref<1x64xf32, #tpu.memory_space<vmem>>) target_semaphore(%arg12 : memref<!tpu.dma_semaphore, #tpu.memory_space<semaphore_mem>>)
      %slice3A_198 = vector.extract_strided_slice %get3A_101 {offsets = [7], sizes = [1], strides = [1]} : vector<16xi32> to vector<1xi32>
      %squeeze3A_199 = vector.extract %slice3A_198[0] : i32 from vector<1xi32>
      %mul3A_200 = arith.constant 16 : i32
      %mul3A_201 = arith.muli %scan3A_98, %mul3A_200 : i32
      %add3A_202 = arith.constant 7 : i32
      %add3A_203 = arith.addi %mul3A_201, %add3A_202 : i32
      %dma_start3A_204 = arith.constant 0 : i32
      %dma_start3A_205 = tpu.memref_slice %arg10[%add3A_203, %dma_start3A_204] : memref<512x64xf32, #tpu.memory_space<vmem>> -> memref<1x64xf32, #tpu.memory_space<vmem>>
      %dma_start3A_206 = arith.constant 0 : i32
      %dma_start3A_207 = tpu.memref_slice %arg4[%squeeze3A_199, %dma_start3A_206] : memref<1000000x64xf32, #tpu.memory_space<hbm>> -> memref<1x64xf32, #tpu.memory_space<hbm>>
      %dma_start3A_208 = arith.constant 0 : i32
      %dma_start3A_209 = tpu.memref_slice %arg10[%add3A_203, %dma_start3A_208] : memref<512x64xf32, #tpu.memory_space<vmem>> -> memref<1x64xf32, #tpu.memory_space<vmem>>
      %dma_start3A_210 = arith.constant 0 : i32
      %dma_start3A_211 = tpu.memref_slice %arg4[%squeeze3A_199, %dma_start3A_210] : memref<1000000x64xf32, #tpu.memory_space<hbm>> -> memref<1x64xf32, #tpu.memory_space<hbm>>
      tpu.enqueue_dma source(%dma_start3A_211 : memref<1x64xf32, #tpu.memory_space<hbm>>) target(%dma_start3A_209 : memref<1x64xf32, #tpu.memory_space<vmem>>) target_semaphore(%arg12 : memref<!tpu.dma_semaphore, #tpu.memory_space<semaphore_mem>>)
      %slice3A_212 = vector.extract_strided_slice %get3A_101 {offsets = [8], sizes = [1], strides = [1]} : vector<16xi32> to vector<1xi32>
      %squeeze3A_213 = vector.extract %slice3A_212[0] : i32 from vector<1xi32>
      %mul3A_214 = arith.constant 16 : i32
      %mul3A_215 = arith.muli %scan3A_98, %mul3A_214 : i32
      %add3A_216 = arith.constant 8 : i32
      %add3A_217 = arith.addi %mul3A_215, %add3A_216 : i32
      %dma_start3A_218 = arith.constant 0 : i32
      %dma_start3A_219 = tpu.memref_slice %arg10[%add3A_217, %dma_start3A_218] : memref<512x64xf32, #tpu.memory_space<vmem>> -> memref<1x64xf32, #tpu.memory_space<vmem>>
      %dma_start3A_220 = arith.constant 0 : i32
      %dma_start3A_221 = tpu.memref_slice %arg4[%squeeze3A_213, %dma_start3A_220] : memref<1000000x64xf32, #tpu.memory_space<hbm>> -> memref<1x64xf32, #tpu.memory_space<hbm>>
      %dma_start3A_222 = arith.constant 0 : i32
      %dma_start3A_223 = tpu.memref_slice %arg10[%add3A_217, %dma_start3A_222] : memref<512x64xf32, #tpu.memory_space<vmem>> -> memref<1x64xf32, #tpu.memory_space<vmem>>
      %dma_start3A_224 = arith.constant 0 : i32
      %dma_start3A_225 = tpu.memref_slice %arg4[%squeeze3A_213, %dma_start3A_224] : memref<1000000x64xf32, #tpu.memory_space<hbm>> -> memref<1x64xf32, #tpu.memory_space<hbm>>
      tpu.enqueue_dma source(%dma_start3A_225 : memref<1x64xf32, #tpu.memory_space<hbm>>) target(%dma_start3A_223 : memref<1x64xf32, #tpu.memory_space<vmem>>) target_semaphore(%arg12 : memref<!tpu.dma_semaphore, #tpu.memory_space<semaphore_mem>>)
      %slice3A_226 = vector.extract_strided_slice %get3A_101 {offsets = [9], sizes = [1], strides = [1]} : vector<16xi32> to vector<1xi32>
      %squeeze3A_227 = vector.extract %slice3A_226[0] : i32 from vector<1xi32>
      %mul3A_228 = arith.constant 16 : i32
      %mul3A_229 = arith.muli %scan3A_98, %mul3A_228 : i32
      %add3A_230 = arith.constant 9 : i32
      %add3A_231 = arith.addi %mul3A_229, %add3A_230 : i32
      %dma_start3A_232 = arith.constant 0 : i32
      %dma_start3A_233 = tpu.memref_slice %arg10[%add3A_231, %dma_start3A_232] : memref<512x64xf32, #tpu.memory_space<vmem>> -> memref<1x64xf32, #tpu.memory_space<vmem>>
      %dma_start3A_234 = arith.constant 0 : i32
      %dma_start3A_235 = tpu.memref_slice %arg4[%squeeze3A_227, %dma_start3A_234] : memref<1000000x64xf32, #tpu.memory_space<hbm>> -> memref<1x64xf32, #tpu.memory_space<hbm>>
      %dma_start3A_236 = arith.constant 0 : i32
      %dma_start3A_237 = tpu.memref_slice %arg10[%add3A_231, %dma_start3A_236] : memref<512x64xf32, #tpu.memory_space<vmem>> -> memref<1x64xf32, #tpu.memory_space<vmem>>
      %dma_start3A_238 = arith.constant 0 : i32
      %dma_start3A_239 = tpu.memref_slice %arg4[%squeeze3A_227, %dma_start3A_238] : memref<1000000x64xf32, #tpu.memory_space<hbm>> -> memref<1x64xf32, #tpu.memory_space<hbm>>
      tpu.enqueue_dma source(%dma_start3A_239 : memref<1x64xf32, #tpu.memory_space<hbm>>) target(%dma_start3A_237 : memref<1x64xf32, #tpu.memory_space<vmem>>) target_semaphore(%arg12 : memref<!tpu.dma_semaphore, #tpu.memory_space<semaphore_mem>>)
      %slice3A_240 = vector.extract_strided_slice %get3A_101 {offsets = [10], sizes = [1], strides = [1]} : vector<16xi32> to vector<1xi32>
      %squeeze3A_241 = vector.extract %slice3A_240[0] : i32 from vector<1xi32>
      %mul3A_242 = arith.constant 16 : i32
      %mul3A_243 = arith.muli %scan3A_98, %mul3A_242 : i32
      %add3A_244 = arith.constant 10 : i32
      %add3A_245 = arith.addi %mul3A_243, %add3A_244 : i32
      %dma_start3A_246 = arith.constant 0 : i32
      %dma_start3A_247 = tpu.memref_slice %arg10[%add3A_245, %dma_start3A_246] : memref<512x64xf32, #tpu.memory_space<vmem>> -> memref<1x64xf32, #tpu.memory_space<vmem>>
      %dma_start3A_248 = arith.constant 0 : i32
      %dma_start3A_249 = tpu.memref_slice %arg4[%squeeze3A_241, %dma_start3A_248] : memref<1000000x64xf32, #tpu.memory_space<hbm>> -> memref<1x64xf32, #tpu.memory_space<hbm>>
      %dma_start3A_250 = arith.constant 0 : i32
      %dma_start3A_251 = tpu.memref_slice %arg10[%add3A_245, %dma_start3A_250] : memref<512x64xf32, #tpu.memory_space<vmem>> -> memref<1x64xf32, #tpu.memory_space<vmem>>
      %dma_start3A_252 = arith.constant 0 : i32
      %dma_start3A_253 = tpu.memref_slice %arg4[%squeeze3A_241, %dma_start3A_252] : memref<1000000x64xf32, #tpu.memory_space<hbm>> -> memref<1x64xf32, #tpu.memory_space<hbm>>
      tpu.enqueue_dma source(%dma_start3A_253 : memref<1x64xf32, #tpu.memory_space<hbm>>) target(%dma_start3A_251 : memref<1x64xf32, #tpu.memory_space<vmem>>) target_semaphore(%arg12 : memref<!tpu.dma_semaphore, #tpu.memory_space<semaphore_mem>>)
      %slice3A_254 = vector.extract_strided_slice %get3A_101 {offsets = [11], sizes = [1], strides = [1]} : vector<16xi32> to vector<1xi32>
      %squeeze3A_255 = vector.extract %slice3A_254[0] : i32 from vector<1xi32>
      %mul3A_256 = arith.constant 16 : i32
      %mul3A_257 = arith.muli %scan3A_98, %mul3A_256 : i32
      %add3A_258 = arith.constant 11 : i32
      %add3A_259 = arith.addi %mul3A_257, %add3A_258 : i32
      %dma_start3A_260 = arith.constant 0 : i32
      %dma_start3A_261 = tpu.memref_slice %arg10[%add3A_259, %dma_start3A_260] : memref<512x64xf32, #tpu.memory_space<vmem>> -> memref<1x64xf32, #tpu.memory_space<vmem>>
      %dma_start3A_262 = arith.constant 0 : i32
      %dma_start3A_263 = tpu.memref_slice %arg4[%squeeze3A_255, %dma_start3A_262] : memref<1000000x64xf32, #tpu.memory_space<hbm>> -> memref<1x64xf32, #tpu.memory_space<hbm>>
      %dma_start3A_264 = arith.constant 0 : i32
      %dma_start3A_265 = tpu.memref_slice %arg10[%add3A_259, %dma_start3A_264] : memref<512x64xf32, #tpu.memory_space<vmem>> -> memref<1x64xf32, #tpu.memory_space<vmem>>
      %dma_start3A_266 = arith.constant 0 : i32
      %dma_start3A_267 = tpu.memref_slice %arg4[%squeeze3A_255, %dma_start3A_266] : memref<1000000x64xf32, #tpu.memory_space<hbm>> -> memref<1x64xf32, #tpu.memory_space<hbm>>
      tpu.enqueue_dma source(%dma_start3A_267 : memref<1x64xf32, #tpu.memory_space<hbm>>) target(%dma_start3A_265 : memref<1x64xf32, #tpu.memory_space<vmem>>) target_semaphore(%arg12 : memref<!tpu.dma_semaphore, #tpu.memory_space<semaphore_mem>>)
      %slice3A_268 = vector.extract_strided_slice %get3A_101 {offsets = [12], sizes = [1], strides = [1]} : vector<16xi32> to vector<1xi32>
      %squeeze3A_269 = vector.extract %slice3A_268[0] : i32 from vector<1xi32>
      %mul3A_270 = arith.constant 16 : i32
      %mul3A_271 = arith.muli %scan3A_98, %mul3A_270 : i32
      %add3A_272 = arith.constant 12 : i32
      %add3A_273 = arith.addi %mul3A_271, %add3A_272 : i32
      %dma_start3A_274 = arith.constant 0 : i32
      %dma_start3A_275 = tpu.memref_slice %arg10[%add3A_273, %dma_start3A_274] : memref<512x64xf32, #tpu.memory_space<vmem>> -> memref<1x64xf32, #tpu.memory_space<vmem>>
      %dma_start3A_276 = arith.constant 0 : i32
      %dma_start3A_277 = tpu.memref_slice %arg4[%squeeze3A_269, %dma_start3A_276] : memref<1000000x64xf32, #tpu.memory_space<hbm>> -> memref<1x64xf32, #tpu.memory_space<hbm>>
      %dma_start3A_278 = arith.constant 0 : i32
      %dma_start3A_279 = tpu.memref_slice %arg10[%add3A_273, %dma_start3A_278] : memref<512x64xf32, #tpu.memory_space<vmem>> -> memref<1x64xf32, #tpu.memory_space<vmem>>
      %dma_start3A_280 = arith.constant 0 : i32
      %dma_start3A_281 = tpu.memref_slice %arg4[%squeeze3A_269, %dma_start3A_280] : memref<1000000x64xf32, #tpu.memory_space<hbm>> -> memref<1x64xf32, #tpu.memory_space<hbm>>
      tpu.enqueue_dma source(%dma_start3A_281 : memref<1x64xf32, #tpu.memory_space<hbm>>) target(%dma_start3A_279 : memref<1x64xf32, #tpu.memory_space<vmem>>) target_semaphore(%arg12 : memref<!tpu.dma_semaphore, #tpu.memory_space<semaphore_mem>>)
      %slice3A_282 = vector.extract_strided_slice %get3A_101 {offsets = [13], sizes = [1], strides = [1]} : vector<16xi32> to vector<1xi32>
      %squeeze3A_283 = vector.extract %slice3A_282[0] : i32 from vector<1xi32>
      %mul3A_284 = arith.constant 16 : i32
      %mul3A_285 = arith.muli %scan3A_98, %mul3A_284 : i32
      %add3A_286 = arith.constant 13 : i32
      %add3A_287 = arith.addi %mul3A_285, %add3A_286 : i32
      %dma_start3A_288 = arith.constant 0 : i32
      %dma_start3A_289 = tpu.memref_slice %arg10[%add3A_287, %dma_start3A_288] : memref<512x64xf32, #tpu.memory_space<vmem>> -> memref<1x64xf32, #tpu.memory_space<vmem>>
      %dma_start3A_290 = arith.constant 0 : i32
      %dma_start3A_291 = tpu.memref_slice %arg4[%squeeze3A_283, %dma_start3A_290] : memref<1000000x64xf32, #tpu.memory_space<hbm>> -> memref<1x64xf32, #tpu.memory_space<hbm>>
      %dma_start3A_292 = arith.constant 0 : i32
      %dma_start3A_293 = tpu.memref_slice %arg10[%add3A_287, %dma_start3A_292] : memref<512x64xf32, #tpu.memory_space<vmem>> -> memref<1x64xf32, #tpu.memory_space<vmem>>
      %dma_start3A_294 = arith.constant 0 : i32
      %dma_start3A_295 = tpu.memref_slice %arg4[%squeeze3A_283, %dma_start3A_294] : memref<1000000x64xf32, #tpu.memory_space<hbm>> -> memref<1x64xf32, #tpu.memory_space<hbm>>
      tpu.enqueue_dma source(%dma_start3A_295 : memref<1x64xf32, #tpu.memory_space<hbm>>) target(%dma_start3A_293 : memref<1x64xf32, #tpu.memory_space<vmem>>) target_semaphore(%arg12 : memref<!tpu.dma_semaphore, #tpu.memory_space<semaphore_mem>>)
      %slice3A_296 = vector.extract_strided_slice %get3A_101 {offsets = [14], sizes = [1], strides = [1]} : vector<16xi32> to vector<1xi32>
      %squeeze3A_297 = vector.extract %slice3A_296[0] : i32 from vector<1xi32>
      %mul3A_298 = arith.constant 16 : i32
      %mul3A_299 = arith.muli %scan3A_98, %mul3A_298 : i32
      %add3A_300 = arith.constant 14 : i32
      %add3A_301 = arith.addi %mul3A_299, %add3A_300 : i32
      %dma_start3A_302 = arith.constant 0 : i32
      %dma_start3A_303 = tpu.memref_slice %arg10[%add3A_301, %dma_start3A_302] : memref<512x64xf32, #tpu.memory_space<vmem>> -> memref<1x64xf32, #tpu.memory_space<vmem>>
      %dma_start3A_304 = arith.constant 0 : i32
      %dma_start3A_305 = tpu.memref_slice %arg4[%squeeze3A_297, %dma_start3A_304] : memref<1000000x64xf32, #tpu.memory_space<hbm>> -> memref<1x64xf32, #tpu.memory_space<hbm>>
      %dma_start3A_306 = arith.constant 0 : i32
      %dma_start3A_307 = tpu.memref_slice %arg10[%add3A_301, %dma_start3A_306] : memref<512x64xf32, #tpu.memory_space<vmem>> -> memref<1x64xf32, #tpu.memory_space<vmem>>
      %dma_start3A_308 = arith.constant 0 : i32
      %dma_start3A_309 = tpu.memref_slice %arg4[%squeeze3A_297, %dma_start3A_308] : memref<1000000x64xf32, #tpu.memory_space<hbm>> -> memref<1x64xf32, #tpu.memory_space<hbm>>
      tpu.enqueue_dma source(%dma_start3A_309 : memref<1x64xf32, #tpu.memory_space<hbm>>) target(%dma_start3A_307 : memref<1x64xf32, #tpu.memory_space<vmem>>) target_semaphore(%arg12 : memref<!tpu.dma_semaphore, #tpu.memory_space<semaphore_mem>>)
      %slice3A_310 = vector.extract_strided_slice %get3A_101 {offsets = [15], sizes = [1], strides = [1]} : vector<16xi32> to vector<1xi32>
      %squeeze3A_311 = vector.extract %slice3A_310[0] : i32 from vector<1xi32>
      %mul3A_312 = arith.constant 16 : i32
      %mul3A_313 = arith.muli %scan3A_98, %mul3A_312 : i32
      %add3A_314 = arith.constant 15 : i32
      %add3A_315 = arith.addi %mul3A_313, %add3A_314 : i32
      %dma_start3A_316 = arith.constant 0 : i32
      %dma_start3A_317 = tpu.memref_slice %arg10[%add3A_315, %dma_start3A_316] : memref<512x64xf32, #tpu.memory_space<vmem>> -> memref<1x64xf32, #tpu.memory_space<vmem>>
      %dma_start3A_318 = arith.constant 0 : i32
      %dma_start3A_319 = tpu.memref_slice %arg4[%squeeze3A_311, %dma_start3A_318] : memref<1000000x64xf32, #tpu.memory_space<hbm>> -> memref<1x64xf32, #tpu.memory_space<hbm>>
      %dma_start3A_320 = arith.constant 0 : i32
      %dma_start3A_321 = tpu.memref_slice %arg10[%add3A_315, %dma_start3A_320] : memref<512x64xf32, #tpu.memory_space<vmem>> -> memref<1x64xf32, #tpu.memory_space<vmem>>
      %dma_start3A_322 = arith.constant 0 : i32
      %dma_start3A_323 = tpu.memref_slice %arg4[%squeeze3A_311, %dma_start3A_322] : memref<1000000x64xf32, #tpu.memory_space<hbm>> -> memref<1x64xf32, #tpu.memory_space<hbm>>
      tpu.enqueue_dma source(%dma_start3A_323 : memref<1x64xf32, #tpu.memory_space<hbm>>) target(%dma_start3A_321 : memref<1x64xf32, #tpu.memory_space<vmem>>) target_semaphore(%arg12 : memref<!tpu.dma_semaphore, #tpu.memory_space<semaphore_mem>>)
    }
    %scan3A_50 = arith.constant 32 : i32
    %dma_wait3A = arith.constant 0 : i32
    %dma_wait3A_51 = arith.constant 0 : i32
    %dma_wait3A_52 = tpu.memref_slice %arg4[%dma_wait3A, %dma_wait3A_51] : memref<1000000x64xf32, #tpu.memory_space<hbm>> -> memref<512x64xf32, #tpu.memory_space<hbm>>
    %dma_wait3A_53 = arith.constant 0 : i32
    %dma_wait3A_54 = arith.constant 0 : i32
    %dma_wait3A_55 = tpu.memref_slice %arg4[%dma_wait3A_53, %dma_wait3A_54] : memref<1000000x64xf32, #tpu.memory_space<hbm>> -> memref<512x64xf32, #tpu.memory_space<hbm>>
    tpu.wait_dma2 semaphore(%arg12 : memref<!tpu.dma_semaphore, #tpu.memory_space<semaphore_mem>>) src(%dma_wait3A_55 : memref<512x64xf32, #tpu.memory_space<hbm>>) dst(%arg10 : memref<512x64xf32, #tpu.memory_space<vmem>>)
    "tpu.region"() ({
      %run_scoped3A = tpu.sem_alloc : memref<!tpu.dma_semaphore, #tpu.memory_space<semaphore_mem>>
      %dma_start3A_98 = arith.constant 0 : i32
      %dma_start3A_99 = tpu.memref_slice %arg6[%mul3A_2, %dma_start3A_98] : memref<16384x64xf32, #tpu.memory_space<hbm>> -> memref<512x64xf32, #tpu.memory_space<hbm>>
      %dma_start3A_100 = arith.constant 0 : i32
      %dma_start3A_101 = tpu.memref_slice %arg6[%mul3A_2, %dma_start3A_100] : memref<16384x64xf32, #tpu.memory_space<hbm>> -> memref<512x64xf32, #tpu.memory_space<hbm>>
      tpu.enqueue_dma source(%arg10 : memref<512x64xf32, #tpu.memory_space<vmem>>) target(%dma_start3A_101 : memref<512x64xf32, #tpu.memory_space<hbm>>) target_semaphore(%run_scoped3A : memref<!tpu.dma_semaphore, #tpu.memory_space<semaphore_mem>>)
      %dma_wait3A_102 = arith.constant 0 : i32
      %dma_wait3A_103 = tpu.memref_slice %arg6[%mul3A_2, %dma_wait3A_102] : memref<16384x64xf32, #tpu.memory_space<hbm>> -> memref<512x64xf32, #tpu.memory_space<hbm>>
      %dma_wait3A_104 = arith.constant 0 : i32
      %dma_wait3A_105 = tpu.memref_slice %arg6[%mul3A_2, %dma_wait3A_104] : memref<16384x64xf32, #tpu.memory_space<hbm>> -> memref<512x64xf32, #tpu.memory_space<hbm>>
      tpu.wait_dma2 semaphore(%run_scoped3A : memref<!tpu.dma_semaphore, #tpu.memory_space<semaphore_mem>>) src(%arg10 : memref<512x64xf32, #tpu.memory_space<vmem>>) dst(%dma_wait3A_105 : memref<512x64xf32, #tpu.memory_space<hbm>>)
      tpu.yield
    }) : () -> ()
    %dma_wait3A_56 = arith.constant 0 : i32
    %dma_wait3A_57 = arith.constant 0 : i32
    %dma_wait3A_58 = arith.constant 0 : i32
    %dma_wait3A_59 = tpu.memref_slice %arg11[%dma_wait3A_57, %dma_wait3A_58] : memref<4x128xf32, #tpu.memory_space<vmem>> -> memref<1x128xf32, #tpu.memory_space<vmem>>
    %dma_wait3A_60 = tpu.memref_squeeze %dma_wait3A_59 : memref<1x128xf32, #tpu.memory_space<vmem>> -> memref<128xf32, #tpu.memory_space<vmem>>
    %dma_wait3A_61 = arith.constant 0 : i32
    %dma_wait3A_62 = tpu.memref_slice %arg9[%dma_wait3A_56, %dma_wait3A_61] : memref<4x128xi32, #tpu.memory_space<vmem>> -> memref<1x128xi32, #tpu.memory_space<vmem>>
    %dma_wait3A_63 = tpu.memref_squeeze %dma_wait3A_62 : memref<1x128xi32, #tpu.memory_space<vmem>> -> memref<128xi32, #tpu.memory_space<vmem>>
    %dma_wait3A_64 = arith.constant 0 : i32
    %dma_wait3A_65 = tpu.memref_slice %arg5[%dma_wait3A_64] : memref<1000000xf32, #tpu.memory_space<hbm>> -> memref<1000000xf32, #tpu.memory_space<hbm>>
    tpu.wait_indirect_dma semaphore(%arg13 : memref<!tpu.dma_semaphore, #tpu.memory_space<semaphore_mem>>) src(%dma_wait3A_65 : memref<1000000xf32, #tpu.memory_space<hbm>>) dst(%dma_wait3A_60 : memref<128xf32, #tpu.memory_space<vmem>>)
    %dma_wait3A_66 = arith.constant 1 : i32
    %dma_wait3A_67 = arith.constant 1 : i32
    %dma_wait3A_68 = arith.constant 0 : i32
    %dma_wait3A_69 = tpu.memref_slice %arg11[%dma_wait3A_67, %dma_wait3A_68] : memref<4x128xf32, #tpu.memory_space<vmem>> -> memref<1x128xf32, #tpu.memory_space<vmem>>
    %dma_wait3A_70 = tpu.memref_squeeze %dma_wait3A_69 : memref<1x128xf32, #tpu.memory_space<vmem>> -> memref<128xf32, #tpu.memory_space<vmem>>
    %dma_wait3A_71 = arith.constant 0 : i32
    %dma_wait3A_72 = tpu.memref_slice %arg9[%dma_wait3A_66, %dma_wait3A_71] : memref<4x128xi32, #tpu.memory_space<vmem>> -> memref<1x128xi32, #tpu.memory_space<vmem>>
    %dma_wait3A_73 = tpu.memref_squeeze %dma_wait3A_72 : memref<1x128xi32, #tpu.memory_space<vmem>> -> memref<128xi32, #tpu.memory_space<vmem>>
    %dma_wait3A_74 = arith.constant 0 : i32
    %dma_wait3A_75 = tpu.memref_slice %arg5[%dma_wait3A_74] : memref<1000000xf32, #tpu.memory_space<hbm>> -> memref<1000000xf32, #tpu.memory_space<hbm>>
    tpu.wait_indirect_dma semaphore(%arg13 : memref<!tpu.dma_semaphore, #tpu.memory_space<semaphore_mem>>) src(%dma_wait3A_75 : memref<1000000xf32, #tpu.memory_space<hbm>>) dst(%dma_wait3A_70 : memref<128xf32, #tpu.memory_space<vmem>>)
    %dma_wait3A_76 = arith.constant 2 : i32
    %dma_wait3A_77 = arith.constant 2 : i32
    %dma_wait3A_78 = arith.constant 0 : i32
    %dma_wait3A_79 = tpu.memref_slice %arg11[%dma_wait3A_77, %dma_wait3A_78] : memref<4x128xf32, #tpu.memory_space<vmem>> -> memref<1x128xf32, #tpu.memory_space<vmem>>
    %dma_wait3A_80 = tpu.memref_squeeze %dma_wait3A_79 : memref<1x128xf32, #tpu.memory_space<vmem>> -> memref<128xf32, #tpu.memory_space<vmem>>
    %dma_wait3A_81 = arith.constant 0 : i32
    %dma_wait3A_82 = tpu.memref_slice %arg9[%dma_wait3A_76, %dma_wait3A_81] : memref<4x128xi32, #tpu.memory_space<vmem>> -> memref<1x128xi32, #tpu.memory_space<vmem>>
    %dma_wait3A_83 = tpu.memref_squeeze %dma_wait3A_82 : memref<1x128xi32, #tpu.memory_space<vmem>> -> memref<128xi32, #tpu.memory_space<vmem>>
    %dma_wait3A_84 = arith.constant 0 : i32
    %dma_wait3A_85 = tpu.memref_slice %arg5[%dma_wait3A_84] : memref<1000000xf32, #tpu.memory_space<hbm>> -> memref<1000000xf32, #tpu.memory_space<hbm>>
    tpu.wait_indirect_dma semaphore(%arg13 : memref<!tpu.dma_semaphore, #tpu.memory_space<semaphore_mem>>) src(%dma_wait3A_85 : memref<1000000xf32, #tpu.memory_space<hbm>>) dst(%dma_wait3A_80 : memref<128xf32, #tpu.memory_space<vmem>>)
    %dma_wait3A_86 = arith.constant 3 : i32
    %dma_wait3A_87 = arith.constant 3 : i32
    %dma_wait3A_88 = arith.constant 0 : i32
    %dma_wait3A_89 = tpu.memref_slice %arg11[%dma_wait3A_87, %dma_wait3A_88] : memref<4x128xf32, #tpu.memory_space<vmem>> -> memref<1x128xf32, #tpu.memory_space<vmem>>
    %dma_wait3A_90 = tpu.memref_squeeze %dma_wait3A_89 : memref<1x128xf32, #tpu.memory_space<vmem>> -> memref<128xf32, #tpu.memory_space<vmem>>
    %dma_wait3A_91 = arith.constant 0 : i32
    %dma_wait3A_92 = tpu.memref_slice %arg9[%dma_wait3A_86, %dma_wait3A_91] : memref<4x128xi32, #tpu.memory_space<vmem>> -> memref<1x128xi32, #tpu.memory_space<vmem>>
    %dma_wait3A_93 = tpu.memref_squeeze %dma_wait3A_92 : memref<1x128xi32, #tpu.memory_space<vmem>> -> memref<128xi32, #tpu.memory_space<vmem>>
    %dma_wait3A_94 = arith.constant 0 : i32
    %dma_wait3A_95 = tpu.memref_slice %arg5[%dma_wait3A_94] : memref<1000000xf32, #tpu.memory_space<hbm>> -> memref<1000000xf32, #tpu.memory_space<hbm>>
    tpu.wait_indirect_dma semaphore(%arg13 : memref<!tpu.dma_semaphore, #tpu.memory_space<semaphore_mem>>) src(%dma_wait3A_95 : memref<1000000xf32, #tpu.memory_space<hbm>>) dst(%dma_wait3A_90 : memref<128xf32, #tpu.memory_space<vmem>>)
    %mul3A_96 = arith.constant 4 : i32
    %mul3A_97 = arith.muli %add3A, %mul3A_96 : i32
    "tpu.region"() ({
      %run_scoped3A = tpu.sem_alloc : memref<!tpu.dma_semaphore, #tpu.memory_space<semaphore_mem>>
      %dma_start3A_98 = arith.constant 0 : i32
      %dma_start3A_99 = tpu.memref_slice %arg7[%mul3A_97, %dma_start3A_98] : memref<128x128xf32, #tpu.memory_space<hbm>> -> memref<4x128xf32, #tpu.memory_space<hbm>>
      %dma_start3A_100 = arith.constant 0 : i32
      %dma_start3A_101 = tpu.memref_slice %arg7[%mul3A_97, %dma_start3A_100] : memref<128x128xf32, #tpu.memory_space<hbm>> -> memref<4x128xf32, #tpu.memory_space<hbm>>
      tpu.enqueue_dma source(%arg11 : memref<4x128xf32, #tpu.memory_space<vmem>>) target(%dma_start3A_101 : memref<4x128xf32, #tpu.memory_space<hbm>>) target_semaphore(%run_scoped3A : memref<!tpu.dma_semaphore, #tpu.memory_space<semaphore_mem>>)
      %dma_wait3A_102 = arith.constant 0 : i32
      %dma_wait3A_103 = tpu.memref_slice %arg7[%mul3A_97, %dma_wait3A_102] : memref<128x128xf32, #tpu.memory_space<hbm>> -> memref<4x128xf32, #tpu.memory_space<hbm>>
      %dma_wait3A_104 = arith.constant 0 : i32
      %dma_wait3A_105 = tpu.memref_slice %arg7[%mul3A_97, %dma_wait3A_104] : memref<128x128xf32, #tpu.memory_space<hbm>> -> memref<4x128xf32, #tpu.memory_space<hbm>>
      tpu.wait_dma2 semaphore(%run_scoped3A : memref<!tpu.dma_semaphore, #tpu.memory_space<semaphore_mem>>) src(%arg11 : memref<4x128xf32, #tpu.memory_space<vmem>>) dst(%dma_wait3A_105 : memref<4x128xf32, #tpu.memory_space<hbm>>)
      tpu.yield
    }) : () -> ()
    return
  }
}

module attributes {stable_mosaic.version = 14 : i64} {
  func.func @_transpose_body(%arg0: i32, %arg1: memref<64x8192xf32, #tpu.memory_space<vmem>>, %arg2: memref<8192x64xf32, #tpu.memory_space<vmem>>) attributes {dimension_semantics = [#tpu.dimension_semantics<arbitrary>], iteration_bounds = array<i64: 123>, scalar_prefetch = 0 : i64, scratch_operands = 0 : i64, tpu.core_type = #tpu.core_type<tc>, window_params = [{transform_indices = @transform_0, window_bounds = array<i64: 64, 8192>}, {transform_indices = @transform_1, window_bounds = array<i64: 8192, 64>}]} {
    %get3A = arith.constant 0 : index
    %get3A_0 = arith.constant 0 : index
    %get3A_1 = vector.load %arg1[%get3A, %get3A_0] : memref<64x8192xf32, #tpu.memory_space<vmem>>, vector<64x8192xf32>
    %transpose3A = tpu.transpose %get3A_1, [1, 0] : vector<64x8192xf32> -> vector<8192x64xf32>
    %swap3A = arith.constant 0 : index
    %swap3A_2 = arith.constant 0 : index
    %swap3A_3 = vector.load %arg2[%swap3A, %swap3A_2] : memref<8192x64xf32, #tpu.memory_space<vmem>>, vector<8192x64xf32>
    tpu.vector_store %arg2[%swap3A, %swap3A_2], %transpose3A {strides = array<i32>} : memref<8192x64xf32, #tpu.memory_space<vmem>>, vector<8192x64xf32>,
    return
  }
  func.func @transform_0(%arg0: i32) -> (i32, i32) {
    %c0_i32 = arith.constant 0 : i32
    %c0_i32_0 = arith.constant 0 : i32
    return %c0_i32, %arg0 : i32, i32
  }
  func.func @transform_1(%arg0: i32) -> (i32, i32) {
    %c0_i32 = arith.constant 0 : i32
    %c0_i32_0 = arith.constant 0 : i32
    return %arg0, %c0_i32 : i32, i32
  }
}

module attributes {stable_mosaic.version = 14 : i64} {
  func.func @_mlp_body(%arg0: memref<16384x64xf32, #tpu.memory_space<vmem>>, %arg1: memref<16384x1xf32, #tpu.memory_space<vmem>>, %arg2: memref<64x128xf32, #tpu.memory_space<vmem>>, %arg3: memref<1x128xf32, #tpu.memory_space<vmem>>, %arg4: memref<1x128xf32, #tpu.memory_space<vmem>>, %arg5: memref<128x64xf32, #tpu.memory_space<vmem>>, %arg6: memref<1x64xf32, #tpu.memory_space<vmem>>, %arg7: memref<1x64xf32, #tpu.memory_space<vmem>>, %arg8: memref<1x64xf32, #tpu.memory_space<vmem>>, %arg9: memref<1xf32, #tpu.memory_space<smem>>, %arg10: memref<16384x1xf32, #tpu.memory_space<vmem>>) attributes {dimension_semantics = [], scalar_prefetch = 0 : i64, scratch_operands = 0 : i64, tpu.core_type = #tpu.core_type<tc>} {
    %get3A = arith.constant 0 : index
    %get3A_0 = arith.constant 0 : index
    %get3A_1 = vector.load %arg0[%get3A, %get3A_0] : memref<16384x64xf32, #tpu.memory_space<vmem>>, vector<16384x64xf32>
    %get3A_2 = arith.constant 0 : index
    %get3A_3 = arith.constant 0 : index
    %get3A_4 = vector.load %arg2[%get3A_2, %get3A_3] : memref<64x128xf32, #tpu.memory_space<vmem>>, vector<64x128xf32>
    %dot_general3A = arith.constant dense<0.000000e+00> : vector<16384x128xf32>
    %dot_general3A_5 = tpu.matmul %get3A_1, %get3A_4, %dot_general3A {dimension_numbers = #tpu.dot_dimension_numbers<[1], [0], [0], [1], [0, 0, 1, 1], [], []>, transpose_lhs_hint = false} : vector<16384x64xf32>, vector<64x128xf32>, vector<16384x128xf32> -> vector<16384x128xf32>
    %reduce_sum3A = arith.constant dense<0.000000e+00> : vector<128xf32>
    %reduce_sum3A_6 = vector.multi_reduction <add>, %dot_general3A_5, %reduce_sum3A [0] : vector<16384x128xf32> to vector<128xf32>
    %broadcast_in_dim3A = vector.shape_cast %reduce_sum3A_6 : vector<128xf32> to vector<1x128xf32>
    %div3A = arith.constant 1.638400e+04 : f32
    %div3A_7 = vector.broadcast %div3A : f32 to vector<1x128xf32>
    %div3A_8 = arith.divf %broadcast_in_dim3A, %div3A_7 : vector<1x128xf32>
    %mul3A = arith.mulf %dot_general3A_5, %dot_general3A_5 : vector<16384x128xf32>
    %reduce_sum3A_9 = arith.constant dense<0.000000e+00> : vector<128xf32>
    %reduce_sum3A_10 = vector.multi_reduction <add>, %mul3A, %reduce_sum3A_9 [0] : vector<16384x128xf32> to vector<128xf32>
    %broadcast_in_dim3A_11 = vector.shape_cast %reduce_sum3A_10 : vector<128xf32> to vector<1x128xf32>
    %div3A_12 = arith.constant 1.638400e+04 : f32
    %div3A_13 = vector.broadcast %div3A_12 : f32 to vector<1x128xf32>
    %div3A_14 = arith.divf %broadcast_in_dim3A_11, %div3A_13 : vector<1x128xf32>
    %mul3A_15 = arith.mulf %div3A_8, %div3A_8 : vector<1x128xf32>
    %sub3A = arith.subf %div3A_14, %mul3A_15 : vector<1x128xf32>
    %sub3A_16 = vector.broadcast %div3A_8 : vector<1x128xf32> to vector<16384x128xf32>
    %sub3A_17 = arith.subf %dot_general3A_5, %sub3A_16 : vector<16384x128xf32>
    %add3A = arith.constant 9.99999974E-6 : f32
    %add3A_18 = vector.broadcast %add3A : f32 to vector<1x128xf32>
    %add3A_19 = arith.addf %sub3A, %add3A_18 : vector<1x128xf32>
    %rsqrt3A = math.rsqrt %add3A_19 : vector<1x128xf32>
    %mul3A_20 = vector.broadcast %rsqrt3A : vector<1x128xf32> to vector<16384x128xf32>
    %mul3A_21 = arith.mulf %sub3A_17, %mul3A_20 : vector<16384x128xf32>
    %get3A_22 = arith.constant 0 : index
    %get3A_23 = arith.constant 0 : index
    %get3A_24 = vector.load %arg3[%get3A_22, %get3A_23] : memref<1x128xf32, #tpu.memory_space<vmem>>, vector<1x128xf32>
    %mul3A_25 = vector.broadcast %get3A_24 : vector<1x128xf32> to vector<16384x128xf32>
    %mul3A_26 = arith.mulf %mul3A_21, %mul3A_25 : vector<16384x128xf32>
    %get3A_27 = arith.constant 0 : index
    %get3A_28 = arith.constant 0 : index
    %get3A_29 = vector.load %arg4[%get3A_27, %get3A_28] : memref<1x128xf32, #tpu.memory_space<vmem>>, vector<1x128xf32>
    %add3A_30 = vector.broadcast %get3A_29 : vector<1x128xf32> to vector<16384x128xf32>
    %add3A_31 = arith.addf %mul3A_26, %add3A_30 : vector<16384x128xf32>
    %max3A = arith.constant 0.000000e+00 : f32
    %max3A_32 = vector.broadcast %max3A : f32 to vector<16384x128xf32>
    %max3A_33 = arith.maximumf %add3A_31, %max3A_32 : vector<16384x128xf32>
    %get3A_34 = arith.constant 0 : index
    %get3A_35 = arith.constant 0 : index
    %get3A_36 = vector.load %arg5[%get3A_34, %get3A_35] : memref<128x64xf32, #tpu.memory_space<vmem>>, vector<128x64xf32>
    %dot_general3A_37 = arith.constant dense<0.000000e+00> : vector<16384x64xf32>
    %dot_general3A_38 = tpu.matmul %max3A_33, %get3A_36, %dot_general3A_37 {dimension_numbers = #tpu.dot_dimension_numbers<[1], [0], [0], [1], [0, 0, 1, 1], [], []>, transpose_lhs_hint = false} : vector<16384x128xf32>, vector<128x64xf32>, vector<16384x64xf32> -> vector<16384x64xf32>
    %reduce_sum3A_39 = arith.constant dense<0.000000e+00> : vector<64xf32>
    %reduce_sum3A_40 = vector.multi_reduction <add>, %dot_general3A_38, %reduce_sum3A_39 [0] : vector<16384x64xf32> to vector<64xf32>
    %broadcast_in_dim3A_41 = vector.shape_cast %reduce_sum3A_40 : vector<64xf32> to vector<1x64xf32>
    %div3A_42 = arith.constant 1.638400e+04 : f32
    %div3A_43 = vector.broadcast %div3A_42 : f32 to vector<1x64xf32>
    %div3A_44 = arith.divf %broadcast_in_dim3A_41, %div3A_43 : vector<1x64xf32>
    %mul3A_45 = arith.mulf %dot_general3A_38, %dot_general3A_38 : vector<16384x64xf32>
    %reduce_sum3A_46 = arith.constant dense<0.000000e+00> : vector<64xf32>
    %reduce_sum3A_47 = vector.multi_reduction <add>, %mul3A_45, %reduce_sum3A_46 [0] : vector<16384x64xf32> to vector<64xf32>
    %broadcast_in_dim3A_48 = vector.shape_cast %reduce_sum3A_47 : vector<64xf32> to vector<1x64xf32>
    %div3A_49 = arith.constant 1.638400e+04 : f32
    %div3A_50 = vector.broadcast %div3A_49 : f32 to vector<1x64xf32>
    %div3A_51 = arith.divf %broadcast_in_dim3A_48, %div3A_50 : vector<1x64xf32>
    %mul3A_52 = arith.mulf %div3A_44, %div3A_44 : vector<1x64xf32>
    %sub3A_53 = arith.subf %div3A_51, %mul3A_52 : vector<1x64xf32>
    %sub3A_54 = vector.broadcast %div3A_44 : vector<1x64xf32> to vector<16384x64xf32>
    %sub3A_55 = arith.subf %dot_general3A_38, %sub3A_54 : vector<16384x64xf32>
    %add3A_56 = arith.constant 9.99999974E-6 : f32
    %add3A_57 = vector.broadcast %add3A_56 : f32 to vector<1x64xf32>
    %add3A_58 = arith.addf %sub3A_53, %add3A_57 : vector<1x64xf32>
    %rsqrt3A_59 = math.rsqrt %add3A_58 : vector<1x64xf32>
    %mul3A_60 = vector.broadcast %rsqrt3A_59 : vector<1x64xf32> to vector<16384x64xf32>
    %mul3A_61 = arith.mulf %sub3A_55, %mul3A_60 : vector<16384x64xf32>
    %get3A_62 = arith.constant 0 : index
    %get3A_63 = arith.constant 0 : index
    %get3A_64 = vector.load %arg6[%get3A_62, %get3A_63] : memref<1x64xf32, #tpu.memory_space<vmem>>, vector<1x64xf32>
    %mul3A_65 = vector.broadcast %get3A_64 : vector<1x64xf32> to vector<16384x64xf32>
    %mul3A_66 = arith.mulf %mul3A_61, %mul3A_65 : vector<16384x64xf32>
    %get3A_67 = arith.constant 0 : index
    %get3A_68 = arith.constant 0 : index
    %get3A_69 = vector.load %arg7[%get3A_67, %get3A_68] : memref<1x64xf32, #tpu.memory_space<vmem>>, vector<1x64xf32>
    %add3A_70 = vector.broadcast %get3A_69 : vector<1x64xf32> to vector<16384x64xf32>
    %add3A_71 = arith.addf %mul3A_66, %add3A_70 : vector<16384x64xf32>
    %max3A_72 = arith.constant 0.000000e+00 : f32
    %max3A_73 = vector.broadcast %max3A_72 : f32 to vector<16384x64xf32>
    %max3A_74 = arith.maximumf %add3A_71, %max3A_73 : vector<16384x64xf32>
    %get3A_75 = arith.constant 0 : index
    %get3A_76 = arith.constant 0 : index
    %get3A_77 = vector.load %arg8[%get3A_75, %get3A_76] : memref<1x64xf32, #tpu.memory_space<vmem>>, vector<1x64xf32>
    %mul3A_78 = vector.broadcast %get3A_77 : vector<1x64xf32> to vector<16384x64xf32>
    %mul3A_79 = arith.mulf %max3A_74, %mul3A_78 : vector<16384x64xf32>
    %reduce_sum3A_80 = arith.constant dense<0.000000e+00> : vector<16384xf32>
    %reduce_sum3A_81 = vector.multi_reduction <add>, %mul3A_79, %reduce_sum3A_80 [1] : vector<16384x64xf32> to vector<16384xf32>
    %broadcast_in_dim3A_82 = vector.shape_cast %reduce_sum3A_81 : vector<16384xf32> to vector<16384x1xf32>
    %get3A_83 = arith.constant 0 : index
    %get3A_84 = arith.constant 0 : index
    %get3A_85 = vector.load %arg1[%get3A_83, %get3A_84] : memref<16384x1xf32, #tpu.memory_space<vmem>>, vector<16384x1xf32>
    %add3A_86 = arith.addf %get3A_85, %broadcast_in_dim3A_82 : vector<16384x1xf32>
    %get3A_87 = arith.constant 0 : index
    %get3A_88 = memref.load %arg9[%get3A_87] : memref<1xf32, #tpu.memory_space<smem>>
    %add3A_89 = vector.broadcast %get3A_88 : f32 to vector<16384x1xf32>
    %add3A_90 = arith.addf %add3A_86, %add3A_89 : vector<16384x1xf32>
    %logistic3A = arith.negf %add3A_90 : vector<16384x1xf32>
    %logistic3A_91 = math.exp %logistic3A : vector<16384x1xf32>
    %logistic3A_92 = arith.constant 1.000000e+00 : f32
    %logistic3A_93 = vector.broadcast %logistic3A_92 : f32 to vector<16384x1xf32>
    %logistic3A_94 = arith.addf %logistic3A_93, %logistic3A_91 : vector<16384x1xf32>
    %logistic3A_95 = arith.divf %logistic3A_93, %logistic3A_94 : vector<16384x1xf32>
    %swap3A = arith.constant 0 : index
    %swap3A_96 = arith.constant 0 : index
    %swap3A_97 = vector.load %arg10[%swap3A, %swap3A_96] : memref<16384x1xf32, #tpu.memory_space<vmem>>, vector<16384x1xf32>
    tpu.vector_store %arg10[%swap3A, %swap3A_96], %logistic3A_95 {strides = array<i32>} : memref<16384x1xf32, #tpu.memory_space<vmem>>, vector<16384x1xf32>,
    return
  }
}

</mosaic_0001>

<sc_bundles>
// kernel: kernel.5.cloned.1.call-start
scs
__scs_entry_jumppad:
0x0: {  	(pc) =	sbr.rel $0x88, $3  }
0x1: {  	(tag) =	ssettag $0x0;
	lr =	simm.s32 $0x1  }
0x2: {  	[smem:$0x3F95] =	sst lr;
	_ =	strace $0xD0000000  }
0x3: {  	_ = 	snop  }
0x4: {  	_ = 	snop  }
0x5: {  	_ = 	snop  }
0x6: {  	_ = 	snop  }
0x7: {  	_ = 	snop  }
__scs_overlays_trampoline_lowered:
0x8: {  	[smem:$0x3FA4] =	sst s0  }
0x9: {  	[smem:$0x3FA5] =	sst s1  }
0xa: {  	[smem:$0x3FA6] =	sst s2  }
0xb: {  	[smem:$0x3FA7] =	sst s3  }
0xc: {  	[smem:$0x3FA8] =	sst s4  }
0xd: {  	[smem:$0x3FA9] =	sst s5  }
0xe: {  	[smem:$0x3FAA] =	sst s6  }
0xf: {  	[smem:$0x3FAB] =	sst s7  }
0x10: {  	[smem:$0x3FAC] =	sst s8  }
0x11: {  	[smem:$0x3FAD] =	sst s9;
	s0 =	simm.s32 @!p0 $0x0  }
0x12: {  	s1 =	sld [smem:$0x3F93];
	s0 =	simm.s32 @p0 $0x1  }
0x13: {  	[smem:$0x3FAE] =	sst s0;
	s0 =	simm.s32 @!p1 $0x0  }
0x14: {  	s2 =	sld [smem:$0x3F92];
	s0 =	simm.s32 @p1 $0x1  }
0x15: {  	[smem:$0x3FAF] =	sst s0;
	s0 =	simm.s32 @!p2 $0x0  }
0x16: {  	s3 =	sld [smem:$0x3FDB];
	s0 =	simm.s32 @p2 $0x1  }
0x17: {  	s4 =	simm.s32 $0x1BF5;
	[smem:$0x3FB1] =	sst s0  }
0x18: {  	s0 =	sld [smem:$0x3F94];
	_ =	swait.ge [sflag:s4], $0x0  }
0x19: {  	s7 =	sld [smem:$0x3F95]  }
0x1a: {  	s8 =	sadd.s32 $0xFFFFE003, lr  }
0x1b: {  	s9 =	sadd.s32 $0xFFFFFEF7, lr;
	s5 =	simm.s32 $0xFFFFFFFF;
	p2 =	slt.u32 s8, $0xFFFFF086  }
0x1c: {  	p1 =	slt.u32 s9, $0xF7A;
	s5 =	simm.s32 @!p2 $0x0  }
0x1d: {  	s5 =	simm.s32 @p1 $0x1;
	p0 =	seq.s32 s7, s2  }
0x1e: {  	s7 =	smul.u32 @!p0 $0xF7A, s2;
	p2 =	seq.s32 @!p0 s5, $0x0  }
0x1f: {  	s9 =	smul.u32 $0xF7A, s1;
	s8 =	simm.s32 @!p0 $0x1BF5;
	p2 =	por !p2, p0  }
0x20: {  	[sflag:s8] =	ssyncset.s32 @!p0 $0xFFFFF086;
	s6 =	sadd.s32 @!p0 s3, s7;
	s7 =	simm.s32 @!p0 $0x108  }
0x21: {  	s3 =	sadd.s32 s3, s9;
	s6 =	sadd.s32 @!p0 $0x88, s6;
	s7 =	simm.s32 @p2 $0x1082  }
0x22: {  	[simem:s7], [sflag:s8] =	dma.local @!p0 [hbm:s6], $0xF7A  }
0x23: {  	s9 =	sor.u32 $0xD0000000, s2;
	s6 =	simm.s32 $0x108;
	_ =	swait.ge @!p0 [sflag:s8], $0x0  }
0x24: {  	s3 =	sadd.s32 $0x88, s3;
	s6 =	simm.s32 @!p1 $0x1082;
	[sflag:s4] =	ssyncset.s32 $0xFFFFF086  }
0x25: {  	[simem:s6], [sflag:s4] =	dma.local [hbm:s3], $0xF7A  }
0x26: {  	[smem:$0x3F95] =	sst s1;
	(tag) =	ssettag s2;
	_ =	strace s9  }
0x27: {  	s1 =	sld [smem:$0x3FA5]  }
0x28: {  	s2 =	sld [smem:$0x3FA6]  }
0x29: {  	s4 =	sld [smem:$0x3FA8]  }
0x2a: {  	p0 =	seq.s32 s5, $0x0;
	s5 =	sld [smem:$0x3FA9]  }
0x2b: {  	s6 =	sld [smem:$0x3FAA]  }
0x2c: {  	s7 =	sld [smem:$0x3FAB]  }
0x2d: {  	s3 =	simm.s32 $0x108;
	s8 =	sld [smem:$0x3FAC]  }
0x2e: {  	s3 =	simm.s32 @!p0 $0x1082;
	s9 =	sld [smem:$0x3FAD]  }
0x2f: {  	lr =	sadd.s32 s0, s3;
	s0 =	sld [smem:$0x3FA4]  }
0x30: {  	s3 =	sld [smem:$0x3FA7]  }
0x31: {  	[smem:$0x3FB0] =	sst s10  }
0x32: {  	s10 =	sld [smem:$0x3FAE];
	_ =	sdelay $0x3  }
0x33: {  	p0 =	seq.s32 s10, $0x1;
	s10 =	sld [smem:$0x3FB0];
	_ =	sdelay $0x3  }
0x34: {  	[smem:$0x3FB0] =	sst s10  }
0x35: {  	s10 =	sld [smem:$0x3FAF];
	_ =	sdelay $0x3  }
0x36: {  	p1 =	seq.s32 s10, $0x1;
	s10 =	sld [smem:$0x3FB0];
	_ =	sdelay $0x3  }
0x37: {  	[smem:$0x3FB0] =	sst s10  }
0x38: {  	s10 =	sld [smem:$0x3FB1]  }
0x39: {  	_ = 	snop;
	(pc) =	sbr.ind lr, $3  }
0x3a: {  	_ = 	snop  }
0x3b: {  	_ = 	snop  }
0x3c: {  	p2 =	seq.s32 s10, $0x1;
	s10 =	sld [smem:$0x3FB0]  }
0x3d: {  	_ =	shalt  }
0x3e: {  	_ =	shalt  }
0x3f: {  	_ =	shalt  }
0x40: {  	_ =	shalt  }
0x41: {  	_ =	shalt  }
0x42: {  	_ =	shalt  }
0x43: {  	_ =	shalt  }
0x44: {  	_ =	shalt  }
0x45: {  	_ =	shalt  }
0x46: {  	_ =	shalt  }
0x47: {  	_ =	shalt  }
0x48: {  	_ =	shalt  }
0x49: {  	_ =	shalt  }
0x4a: {  	_ =	shalt  }
0x4b: {  	_ =	shalt  }
0x4c: {  	_ =	shalt  }
0x4d: {  	_ =	shalt  }
0x4e: {  	_ =	shalt  }
0x4f: {  	_ =	shalt  }
0x50: {  	_ =	shalt  }
0x51: {  	_ =	shalt  }
0x52: {  	_ =	shalt  }
0x53: {  	_ =	shalt  }
0x54: {  	_ =	shalt  }
0x55: {  	_ =	shalt  }
0x56: {  	_ =	shalt  }
0x57: {  	_ =	shalt  }
0x58: {  	_ =	shalt  }
0x59: {  	_ =	shalt  }
0x5a: {  	_ =	shalt  }
0x5b: {  	_ =	shalt  }
0x5c: {  	_ =	shalt  }
0x5d: {  	_ =	shalt  }
0x5e: {  	_ =	shalt  }
0x5f: {  	_ =	shalt  }
0x60: {  	_ =	shalt  }
0x61: {  	_ =	shalt  }
0x62: {  	_ =	shalt  }
0x63: {  	_ =	shalt  }
0x64: {  	_ =	shalt  }
0x65: {  	_ =	shalt  }
0x66: {  	_ =	shalt  }
0x67: {  	_ =	shalt  }
0x68: {  	_ =	shalt  }
0x69: {  	_ =	shalt  }
0x6a: {  	_ =	shalt  }
0x6b: {  	_ =	shalt  }
0x6c: {  	_ =	shalt  }
0x6d: {  	_ =	shalt  }
0x6e: {  	_ =	shalt  }
0x6f: {  	_ =	shalt  }
0x70: {  	_ =	shalt  }
0x71: {  	_ =	shalt  }
0x72: {  	_ =	shalt  }
0x73: {  	_ =	shalt  }
0x74: {  	_ =	shalt  }
0x75: {  	_ =	shalt  }
0x76: {  	_ =	shalt  }
0x77: {  	_ =	shalt  }
0x78: {  	_ =	shalt  }
0x79: {  	_ =	shalt  }
0x7a: {  	_ =	shalt  }
0x7b: {  	_ =	shalt  }
0x7c: {  	_ =	shalt  }
0x7d: {  	_ =	shalt  }
0x7e: {  	_ =	shalt  }
0x7f: {  	_ =	shalt  }
0x80: {  	_ =	shalt  }
0x81: {  	_ =	shalt  }
0x82: {  	_ =	shalt  }
0x83: {  	_ =	shalt  }
0x84: {  	_ =	shalt  }
0x85: {  	_ =	shalt  }
0x86: {  	_ =	shalt  }
0x87: {  	_ =	shalt  }
.Lfunc_end0:
.L_simem_size_0:
called_computation_lowered:
.L_overlay_start_0:
0x88: {  	s2 =	sld [smem:$0x3FD9]  }
0x89: {  	s3 =	sld [smem:$0x3FFE];
	_ =	sdelay $0x1  }
0x8a: {  	s1 =	srdreg.scid  }
0x8b: {  	s0 =	sand.u32 $0x1, s1  }
0x8c: {  	s17 =	sshll.u32 s0, $0xA;
	s2 =	sadd.s32 s3, s2  }
0x8d: {  	s2 =	sadd.s32 s2, s17  }
0x8e: {  	[smem:$0x3FBC] =	sst s2  }
0x8f: {  	_ = 	snop  }
0x90: {  	s2 =	sld [smem:$0x3FC9]  }
0x91: {  	s18 =	sld [smem:$0x3FD0];
	(tm) =	ssettm $0x1  }
0x92: {  	s4 =	sld [smem:$0x3FFB];
	_ =	sdelay $0x3  }
0x93: {  	_ =	strace s4  }
0x94: {  	s4 =	sld [smem:$0x3FFC];
	_ =	sdelay $0x3  }
0x95: {  	_ =	strace s4  }
0x96: {  	s4 =	sld [smem:$0x3FFD];
	_ =	sdelay $0x3  }
0x97: {  	_ =	strace s4  }
0x98: {  	_ =	strace $0x8FFFFFFF  }
0x99: {  	s19 =	sld [smem:$0x3FDB];
	_ =	sdelay $0x1  }
0x9a: {  	s5 =	simm.s32 $_scs_section_size  }
0x9b: {  	s6 =	simm.s32 $_size__tile_overlayer_lowered;
	s7 =	simm.s32 $_tile_overlayer_lowered  }
0x9c: {  	s22 =	simm.s32 $0x1BFF;
	s21 =	sshll.u32 s7, $0x1;
	s4 =	sadd.s32 s5, s19  }
0x9d: {  	s8 =	simm.s32 $0x0;
	s20 =	sshll.u32 s6, $0x1;
	s6 =	sadd.s32 s21, s4  }
0x9e: {  	[timem:s8], [sflag:s22] =	dma.local [hbm:s6], s20  }
0x9f: {  	_ =	swait.ge [sflag:s22], s20  }
0xa0: {  	s5 =	ssub.s32 $0x0, s20;
	[sflag:s22] =	ssyncset.done $0x0  }
0xa1: {  	[sflag:s22] =	ssyncadd.s32 s5;
	_ =	sdelay $0x1  }
0xa2: {  	s23 =	simm.s32 $0x1B8B  }
0xa3: {  	_ =	swait.ge [sflag:s23], $0x1  }
0xa4: {  	[sflag:s23] =	ssyncset.done $0x0  }
0xa5: {  	s25 =	simm.s32 $0x1B8E;
	s24 =	sld [smem:$0x3FFE];
	[sflag:s23] =	ssyncadd.s32 $0xFFFFFFFF  }
0xa6: {  	s26 =	simm.s32 $execute0_lowered;
	[smem:$0x3FD2] =	sst s25  }
0xa7: {  	s6 =	sshll.u32 s26, $0x1;
	_ =	strace $0x80000046;
	[dreg:$0x1] =	wrdreg $0xFFFFFFFF  }
0xa8: {  	s28 =	simm.s32 $_size_execute0_lowered;
	s4 =	sadd.s32 s4, s6;
	[dreg:$0x0] =	wrdreg $0x0  }
0xa9: {  	s6 =	sshll.u32 s28, $0x1;
	[dreg:$0x2] =	wrdreg s4  }
0xaa: {  	[dreg:$0x3] =	wrdreg s6  }
0xab: {  	[dreg:$0x4] =	wrdreg $0xC0  }
0xac: {  	_ =	task [dreg:s8], $0x5FFFF  }
0xad: {  	[dreg:$0x1] =	wrdreg $0xFFFFFFFF  }
0xae: {  	[dreg:$0x0] =	wrdreg $0x60  }
0xaf: {  	[dreg:$0x2] =	wrdreg s24  }
0xb0: {  	[dreg:$0x3] =	wrdreg s2  }
0xb1: {  	[dreg:$0x4] =	wrdreg s18  }
0xb2: {  	[dreg:$0x5] =	wrdreg $0x9  }
0xb3: {  	_ =	task.clear_ibuf [dreg:s8], $0x6FFFF;
	_ =	strace $0x90000046  }
0xb4: {  	s29 =	simm.s32 $0x9;
	_ =	strace $0x80000048  }
0xb5: {  	_ =	swait.ge [sflag:s29], $0x1  }
0xb6: {  	[sflag:s29] =	ssyncadd.s32 $0xFFFFFFFF  }
0xb7: {  	_ =	strace $0x90000048  }
0xb8: {  	_ =	sfence  }
0xb9: {  	s30 =	sld [smem:$0x0];
	_ =	sdelay $0x2  }
0xba: {  	s31 =	sshll.u32 s1, $0xD;
	s1 =	sshrl.u32 s1, $0x2  }
0xbb: {  	s3 =	sand.u32 $0x4000, s31;
	s1 =	sadd.s32 s1, s30  }
0xbc: {  	s0 =	sor.u32 s3, s0;
	s1 =	sshll.u32 s1, $0x11  }
0xbd: {  	s0 =	sor.u32 s1, s0  }
0xbe: {  	s0 =	sadd.s32 $0x8F2B, s0  }
0xbf: {  	[sflag:s0] =	ssyncadd.remote.s32 $0x1  }
0xc0: {  	_ =	sfence.sel $0xFFFF  }
0xc1: {  	[dreg:$0x0] =	wrdreg $0xFFFFFFFF;
	(pc) =	sbr.abs _section_cstart, $3  }
0xc2: {  	[dreg:$0x1] =	wrdreg $0xFFFFFFFF  }
0xc3: {  	_ =	task.clear_ibuf [dreg:s8], $0x2FFFF;
	_ =	strace $0x9FFFFFFF  }
0xc4: {  	(tm) =	ssettm $0x7FFFFFFF  }
0xc5: {  	_ =	shalt  }
tec
execute0_lowered:
.L_overlay_start_1:
0x0: {  	(tag) =	ssettag $0x1  }
0x1: {  	s0 =	rddreg [dreg:$0x0]  }
0x2: {  	s1 =	rddreg [dreg:$0x1];
	s2 =	srdreg.scid  }
0x3: {  	s3 =	stileid.u32;
	s8 =	rddreg [dreg:$0x2]  }
0x4: {  	s12 =	simm.s32 $0x80;
	s13 =	simm.s32 $0x11200;
	s20 =	simm.s32 $0x1  }
0x5: {  	s22 =	simm.s32 $0x2;
	s23 =	simm.s32 $0x0;
	s5 =	sand.u32 $0x1, s2  }
0x6: {  	s3 =	sshll.u32 s3, $0x1;
	s2 =	simm.s32 $0x0;
	s4 =	sadd.s32 $0xF47000, s0  }
0x7: {  	s6 =	sor.u32 s5, s3;
	[smem:$0x7FF] =	sst s2;
	s3 =	sadd.s32 $0xC00, s0  }
0x8: {  	s10 =	ssub.s32 $0x2, s5;
	s5 =	sshll.u32 s5, $0x9;
	s7 =	sshll.u32 s6, $0x9  }
0x9: {  	_ =	strace $0x80000047;
	s6 =	sshll.u32 s6, $0xD;
	s29 =	sshrl.u32 s10, $0x1  }
0xa: {  	s9 =	sadd.s32 s7, s0;
	s7 =	sand.u32 $0x3C00, s7;
	s0 =	sadd.s32 s6, s0  }
0xb: {  	s10 =	ssub.s32 s10, s29;
	s7 =	sor.u32 s5, s7;
	s30 =	sadd.s32 $0xF43000, s9  }
0xc: {  	s0 =	sadd.s32 $0xF65A00, s0;
	[dreg:$0x4] =	wrdreg s30;
	s31 =	sshrl.u32 s7, $0x3  }
0xd: {  	s9 =	smax.u32 s10, $0x1;
	[dreg:$0x6] =	wrdreg s0;
	s1 =	sadd.s32 s1, s31  }
0xe: {  	s10 =	simm.s32 $0x3;
	s8 =	sadd.s32 s8, s31;
	[dreg:$0x5] =	wrdreg s1  }
.LBB2_1:
0xf: {  	s0 =	rddreg [dreg:$0x4]  }
0x10: {  	[tilespmem:s2], [sflag:$0x3] =	stream.linear.gather [hbm4b:s0+s2], $0x1000, $0x38;
	[tilespmem:$0x11400] =	vst v63  }
0x11: {  	_ =	swait.ge [sflag:s10], $0x1000  }
0x12: {  	[sflag:s10] =	ssyncset.done $0x0  }
0x13: {  	s1 =	simm.s32 $0x1000;
	s24 =	rddreg [dreg:$0x5];
	[sflag:s10] =	ssyncadd.s32 $0xFFFFF000  }
0x14: {  	[tilespmem:s1], [sflag:$0x3] =	stream.linear.gather [hbm4b:s24+s2], $0x200, $0x38;
	[tilespmem:$0x11400] =	vst v63  }
0x15: {  	_ =	swait.ge [sflag:s10], $0x200  }
0x16: {  	[sflag:s10] =	ssyncset.done $0x0  }
0x17: {  	[sflag:s10] =	ssyncadd.s32 $0xFFFFFE00  }
0x18: {  	[tilespmem:s13], [sflag:$0x2] =	stream.indirect.gather [hbm4b:s4+s12], $0x1, s1, s12, $0xb8;
	[tilespmem:$0x11400] =	vst v63  }
0x19: {  	s25 =	simm.s32 $0x1080;
	s26 =	simm.s32 $0x11280  }
0x1a: {  	[tilespmem:s26], [sflag:$0x2] =	stream.indirect.gather [hbm4b:s4+s12], $0x1, s25, s12, $0xb8;
	[tilespmem:$0x11400] =	vst v63  }
0x1b: {  	s28 =	simm.s32 $0x1100;
	s29 =	simm.s32 $0x11300  }
0x1c: {  	[tilespmem:s29], [sflag:$0x2] =	stream.indirect.gather [hbm4b:s4+s12], $0x1, s28, s12, $0xb8;
	[tilespmem:$0x11400] =	vst v63  }
0x1d: {  	s30 =	simm.s32 $0x1180;
	s31 =	simm.s32 $0x11380  }
0x1e: {  	[tilespmem:s31], [sflag:$0x2] =	stream.indirect.gather [hbm4b:s4+s12], $0x1, s30, s12, $0xb8;
	[tilespmem:$0x11400] =	vst v63  }
0x1f: {  	v0 =	vld [tilespmem:s2+$0x0];
	_ =	sdelay $0x4  }
0x20: {  	v0 =	vshll.u32 v0, $0x4  }
0x21: {  	(v2sf) =	vpush v0, $0x0  }
0x22: {  	(v2sf) =	vpush v0, $0x1  }
0x23: {  	(v2sf) =	vpush v0, $0x2;
	_ =	sdelay $0x1  }
0x24: {  	(v2sf) =	vpush v0, $0x4;
	_ =	sdelay $0x1  }
0x25: {  	(v2sf) =	vpush v0, $0x3  }
0x26: {  	(v2sf) =	vpush v0, $0x5  }
0x27: {  	s24 =	simm.s32 $0x0;
	s25 =	simm.s32 $0x2000;
	s26 =	simm.s32 $0x0;
	(v2sf) =	vpush v0, $0x6  }
.LBB2_2:
0x28: {  	p0 =	sne.s32 s25, $0x3E000  }
0x29: {  	s17 =	sadd.s32 $0x1280, s24;
	s31 =	sadd.s32 $0x1780, s24;
	s28 =	smov.u32 s25  }
0x2a: {  	s25 =	sadd.s32 $0x2000, s25;
	s14 =	sadd.s32 $0x1580, s24;
	s29 =	sadd.s32 $0x1800, s24;
	(v2sf) =	vpush v0, $0x7  }
0x2b: {  	s16 =	sadd.s32 $0x1480, s24;
	s0 =	sadd.s32 $0x1600, s24;
	s30 =	sadd.s32 $0x1880, s24  }
0x2c: {  	s18 =	sadd.s32 $0x1200, s24;
	s19 =	sadd.s32 $0x1400, s24;
	(v2sf) =	vpush v0, $0x8  }
0x2d: {  	s21 =	sadd.s32 $0x1500, s24;
	s26 =	sadd.s32 $0x80, s26  }
0x2e: {  	s5 =	sadd.s32 $0x1300, s24;
	s1 =	sadd.s32 $0x1700, s24;
	s15 =	spop (v2sf);
	(v2sf) =	vpush v0, $0x9  }
0x2f: {  	s11 =	sand.u32 $0x1FFFFFF0, s15;
	s15 =	sadd.s32 $0x1680, s24;
	s6 =	spop (v2sf)  }
0x30: {  	s11 =	sadd.s32 s3, s11;
	s6 =	sand.u32 $0x1FFFFFF0, s6;
	s7 =	spop (v2sf);
	(v2sf) =	vpush v0, $0xA  }
0x31: {  	[tilespmem:s18], [sflag:$0x1] =	stream.linear.gather [hbm4b:s11+s2], $0x80, $0x38;
	[tilespmem:$0x11400] =	vst v63  }
0x32: {  	s6 =	sadd.s32 s3, s6;
	s11 =	sadd.s32 $0x1380, s24;
	s18 =	spop (v2sf);
	(v2sf) =	vpush v0, $0xB  }
0x33: {  	[tilespmem:s17], [sflag:$0x1] =	stream.linear.gather [hbm4b:s6+s2], $0x80, $0x38;
	[tilespmem:$0x11400] =	vst v63  }
0x34: {  	s6 =	sand.u32 $0x1FFFFFF0, s7;
	s7 =	sand.u32 $0x1FFFFFF0, s18;
	s17 =	spop (v2sf);
	(v2sf) =	vpush v0, $0xC  }
0x35: {  	s6 =	sadd.s32 s3, s6;
	s17 =	sand.u32 $0x1FFFFFF0, s17;
	s18 =	spop (v2sf)  }
0x36: {  	[tilespmem:s5], [sflag:$0x1] =	stream.linear.gather [hbm4b:s6+s2], $0x80, $0x38;
	(v2sf) =	vpush v0, $0xD;
	[tilespmem:$0x11400] =	vst v63  }
0x37: {  	s5 =	sadd.s32 s3, s17;
	s6 =	sand.u32 $0x1FFFFFF0, s18;
	s17 =	spop (v2sf)  }
0x38: {  	[tilespmem:s11], [sflag:$0x1] =	stream.linear.gather [hbm4b:s5+s2], $0x80, $0x38;
	(v2sf) =	vpush v0, $0xE;
	[tilespmem:$0x11400] =	vst v63  }
0x39: {  	s5 =	sadd.s32 s3, s7;
	s7 =	sand.u32 $0x1FFFFFF0, s17;
	s11 =	spop (v2sf)  }
0x3a: {  	[tilespmem:s19], [sflag:$0x1] =	stream.linear.gather [hbm4b:s5+s2], $0x80, $0x38;
	(v2sf) =	vpush v0, $0xF;
	[tilespmem:$0x11400] =	vst v63  }
0x3b: {  	s5 =	sadd.s32 s3, s6;
	s6 =	sand.u32 $0x1FFFFFF0, s11;
	s11 =	spop (v2sf)  }
0x3c: {  	[tilespmem:s16], [sflag:$0x1] =	stream.linear.gather [hbm4b:s5+s2], $0x80, $0x38;
	[tilespmem:$0x11400] =	vst v63  }
0x3d: {  	s5 =	sadd.s32 s3, s7;
	s7 =	sand.u32 $0x1FFFFFF0, s11;
	s11 =	spop (v2sf)  }
0x3e: {  	[tilespmem:s21], [sflag:$0x1] =	stream.linear.gather [hbm4b:s5+s2], $0x80, $0x38;
	[tilespmem:$0x11400] =	vst v63  }
0x3f: {  	s5 =	sadd.s32 s3, s6;
	s6 =	sand.u32 $0x1FFFFFF0, s11;
	s11 =	spop (v2sf)  }
0x40: {  	[tilespmem:s14], [sflag:$0x1] =	stream.linear.gather [hbm4b:s5+s2], $0x80, $0x38;
	[tilespmem:$0x11400] =	vst v63  }
0x41: {  	s5 =	sadd.s32 s3, s7;
	s7 =	sand.u32 $0x1FFFFFF0, s11;
	s11 =	spop (v2sf)  }
0x42: {  	[tilespmem:s0], [sflag:$0x1] =	stream.linear.gather [hbm4b:s5+s2], $0x80, $0x38;
	[tilespmem:$0x11400] =	vst v63  }
0x43: {  	s0 =	sadd.s32 s3, s6;
	s5 =	sand.u32 $0x1FFFFFF0, s11;
	s6 =	spop (v2sf)  }
0x44: {  	[tilespmem:s15], [sflag:$0x1] =	stream.linear.gather [hbm4b:s0+s2], $0x80, $0x38;
	[tilespmem:$0x11400] =	vst v63  }
0x45: {  	s0 =	sadd.s32 s3, s7;
	s6 =	sand.u32 $0x1FFFFFF0, s6;
	s7 =	spop (v2sf)  }
0x46: {  	[tilespmem:s1], [sflag:$0x1] =	stream.linear.gather [hbm4b:s0+s2], $0x80, $0x38;
	[tilespmem:$0x11400] =	vst v63  }
0x47: {  	s0 =	sadd.s32 s3, s5;
	s1 =	sand.u32 $0x1FFFFFF0, s7;
	s5 =	spop (v2sf)  }
0x48: {  	[tilespmem:s31], [sflag:$0x1] =	stream.linear.gather [hbm4b:s0+s2], $0x80, $0x38;
	[tilespmem:$0x11400] =	vst v63  }
0x49: {  	s0 =	sadd.s32 s3, s6;
	s5 =	sand.u32 $0x1FFFFFF0, s5;
	s6 =	spop (v2sf)  }
0x4a: {  	[tilespmem:s29], [sflag:$0x1] =	stream.linear.gather [hbm4b:s0+s2], $0x80, $0x38;
	[tilespmem:$0x11400] =	vst v63  }
0x4b: {  	s0 =	sadd.s32 s3, s1;
	s1 =	sand.u32 $0x1FFFFFF0, s6  }
0x4c: {  	[tilespmem:s30], [sflag:$0x1] =	stream.linear.gather [hbm4b:s0+s2], $0x80, $0x38;
	[tilespmem:$0x11400] =	vst v63  }
0x4d: {  	s5 =	sadd.s32 s3, s5;
	s0 =	sadd.s32 $0x1900, s24  }
0x4e: {  	[tilespmem:s0], [sflag:$0x1] =	stream.linear.gather [hbm4b:s5+s2], $0x80, $0x38;
	[tilespmem:$0x11400] =	vst v63  }
0x4f: {  	s1 =	sadd.s32 s3, s1;
	s0 =	sadd.s32 $0x1980, s24  }
0x50: {  	[tilespmem:s0], [sflag:$0x1] =	stream.linear.gather [hbm4b:s1+s2], $0x80, $0x38;
	[tilespmem:$0x11400] =	vst v63  }
0x51: {  	v0 =	vld [tilespmem:s26+$0x0];
	_ =	sdelay $0x4  }
0x52: {  	v0 =	vshll.u32 v0, $0x4  }
0x53: {  	(v2sf) =	vpush v0, $0x0  }
0x54: {  	(v2sf) =	vpush v0, $0x1  }
0x55: {  	(v2sf) =	vpush v0, $0x2;
	_ =	sdelay $0x1  }
0x56: {  	(v2sf) =	vpush v0, $0x4  }
.Ltmp0:
0x57: {  	(pc) =	sbr.rel @p0 .LBB2_2-.Ltmp0, $3  }
0x58: {  	(v2sf) =	vpush v0, $0x3  }
0x59: {  	(v2sf) =	vpush v0, $0x5;
	_ =	sdelay $0x1  }
0x5a: {  	s24 =	sshra.s32 s28, $0x2;
	(v2sf) =	vpush v0, $0x6  }
0x5b: {  	_ =	sdelay $0x5  }
0x5c: {  	s0 =	spop (v2sf)  }
0x5d: {  	s1 =	spop (v2sf)  }
0x5e: {  	s11 =	spop (v2sf)  }
0x5f: {  	s16 =	spop (v2sf);
	(v2sf) =	vpush v0, $0x7  }
0x60: {  	s0 =	sand.u32 $0x1FFFFFF0, s0  }
0x61: {  	s5 =	sadd.s32 $0x1200, s24;
	s0 =	sadd.s32 s3, s0  }
0x62: {  	[tilespmem:s5], [sflag:$0x1] =	stream.linear.gather [hbm4b:s0+s2], $0x80, $0x38;
	[tilespmem:$0x11400] =	vst v63  }
0x63: {  	s1 =	sand.u32 $0x1FFFFFF0, s1;
	s17 =	spop (v2sf);
	(v2sf) =	vpush v0, $0x8  }
0x64: {  	s7 =	sadd.s32 $0x1280, s24;
	s1 =	sadd.s32 s3, s1  }
0x65: {  	[tilespmem:s7], [sflag:$0x1] =	stream.linear.gather [hbm4b:s1+s2], $0x80, $0x38;
	[tilespmem:$0x11400] =	vst v63  }
0x66: {  	s14 =	sand.u32 $0x1FFFFFF0, s11;
	s25 =	spop (v2sf);
	(v2sf) =	vpush v0, $0x9  }
0x67: {  	s15 =	sadd.s32 $0x1300, s24;
	s0 =	sadd.s32 s3, s14  }
0x68: {  	[tilespmem:s15], [sflag:$0x1] =	stream.linear.gather [hbm4b:s0+s2], $0x80, $0x38;
	[tilespmem:$0x11400] =	vst v63  }
0x69: {  	s0 =	sand.u32 $0x1FFFFFF0, s17;
	s28 =	spop (v2sf);
	(v2sf) =	vpush v0, $0xA  }
0x6a: {  	s18 =	sadd.s32 $0x1380, s24;
	s19 =	sand.u32 $0x1FFFFFF0, s16;
	s0 =	sadd.s32 s3, s0  }
0x6b: {  	[tilespmem:s18], [sflag:$0x1] =	stream.linear.gather [hbm4b:s0+s2], $0x80, $0x38;
	[tilespmem:$0x11400] =	vst v63  }
0x6c: {  	s21 =	sadd.s32 $0x1400, s24;
	s0 =	sadd.s32 s3, s19  }
0x6d: {  	[tilespmem:s21], [sflag:$0x1] =	stream.linear.gather [hbm4b:s0+s2], $0x80, $0x38;
	[tilespmem:$0x11400] =	vst v63  }
0x6e: {  	s0 =	sand.u32 $0x1FFFFFF0, s25;
	s30 =	spop (v2sf);
	(v2sf) =	vpush v0, $0xB  }
0x6f: {  	s26 =	sadd.s32 $0x1480, s24;
	s0 =	sadd.s32 s3, s0  }
0x70: {  	[tilespmem:s26], [sflag:$0x1] =	stream.linear.gather [hbm4b:s0+s2], $0x80, $0x38;
	[tilespmem:$0x11400] =	vst v63  }
0x71: {  	s0 =	sand.u32 $0x1FFFFFF0, s28  }
0x72: {  	s29 =	sadd.s32 $0x1500, s24;
	s0 =	sadd.s32 s3, s0;
	s1 =	spop (v2sf);
	(v2sf) =	vpush v0, $0xC  }
0x73: {  	[tilespmem:s29], [sflag:$0x1] =	stream.linear.gather [hbm4b:s0+s2], $0x80, $0x38;
	[tilespmem:$0x11400] =	vst v63  }
0x74: {  	s0 =	sand.u32 $0x1FFFFFF0, s30  }
0x75: {  	s31 =	sadd.s32 $0x1580, s24;
	s0 =	sadd.s32 s3, s0;
	s6 =	spop (v2sf);
	(v2sf) =	vpush v0, $0xD  }
0x76: {  	[tilespmem:s31], [sflag:$0x1] =	stream.linear.gather [hbm4b:s0+s2], $0x80, $0x38;
	[tilespmem:$0x11400] =	vst v63  }
0x77: {  	s0 =	sand.u32 $0x1FFFFFF0, s1  }
0x78: {  	s5 =	sadd.s32 $0x1600, s24;
	s0 =	sadd.s32 s3, s0;
	s11 =	spop (v2sf);
	(v2sf) =	vpush v0, $0xE  }
0x79: {  	[tilespmem:s5], [sflag:$0x1] =	stream.linear.gather [hbm4b:s0+s2], $0x80, $0x38;
	[tilespmem:$0x11400] =	vst v63  }
0x7a: {  	s0 =	sand.u32 $0x1FFFFFF0, s6  }
0x7b: {  	s7 =	sadd.s32 $0x1680, s24;
	s0 =	sadd.s32 s3, s0  }
0x7c: {  	[tilespmem:s7], [sflag:$0x1] =	stream.linear.gather [hbm4b:s0+s2], $0x80, $0x38;
	[tilespmem:$0x11400] =	vst v63  }
0x7d: {  	s0 =	sand.u32 $0x1FFFFFF0, s11;
	s15 =	spop (v2sf);
	(v2sf) =	vpush v0, $0xF  }
0x7e: {  	s14 =	sadd.s32 $0x1700, s24;
	s0 =	sadd.s32 s3, s0  }
0x7f: {  	[tilespmem:s14], [sflag:$0x1] =	stream.linear.gather [hbm4b:s0+s2], $0x80, $0x38;
	[tilespmem:$0x11400] =	vst v63  }
0x80: {  	s0 =	sand.u32 $0x1FFFFFF0, s15  }
0x81: {  	s16 =	sadd.s32 $0x1780, s24;
	s0 =	sadd.s32 s3, s0;
	s17 =	spop (v2sf)  }
0x82: {  	[tilespmem:s16], [sflag:$0x1] =	stream.linear.gather [hbm4b:s0+s2], $0x80, $0x38;
	[tilespmem:$0x11400] =	vst v63  }
0x83: {  	s0 =	sand.u32 $0x1FFFFFF0, s17  }
0x84: {  	s18 =	sadd.s32 $0x1800, s24;
	s19 =	spop (v2sf);
	s0 =	sadd.s32 s3, s0  }
0x85: {  	[tilespmem:s18], [sflag:$0x1] =	stream.linear.gather [hbm4b:s0+s2], $0x80, $0x38;
	[tilespmem:$0x11400] =	vst v63  }
0x86: {  	s0 =	sand.u32 $0x1FFFFFF0, s19  }
0x87: {  	s21 =	sadd.s32 $0x1880, s24;
	s25 =	spop (v2sf);
	s0 =	sadd.s32 s3, s0  }
0x88: {  	[tilespmem:s21], [sflag:$0x1] =	stream.linear.gather [hbm4b:s0+s2], $0x80, $0x38;
	[tilespmem:$0x11400] =	vst v63  }
0x89: {  	s0 =	sand.u32 $0x1FFFFFF0, s25  }
0x8a: {  	s26 =	sadd.s32 $0x1900, s24;
	s0 =	sadd.s32 s3, s0  }
0x8b: {  	[tilespmem:s26], [sflag:$0x1] =	stream.linear.gather [hbm4b:s0+s2], $0x80, $0x38;
	[tilespmem:$0x11400] =	vst v63  }
0x8c: {  	s28 =	spop (v2sf)  }
0x8d: {  	s0 =	sand.u32 $0x1FFFFFF0, s28  }
0x8e: {  	s29 =	sadd.s32 $0x1980, s24;
	s0 =	sadd.s32 s3, s0  }
0x8f: {  	[tilespmem:s29], [sflag:$0x1] =	stream.linear.gather [hbm4b:s0+s2], $0x80, $0x38;
	[tilespmem:$0x11400] =	vst v63  }
0x90: {  	_ =	swait.ge [sflag:s20], $0x10000  }
0x91: {  	[sflag:s20] =	ssyncset.done $0x0  }
0x92: {  	s31 =	simm.s32 $0x1200;
	s30 =	rddreg [dreg:$0x6];
	[sflag:s20] =	ssyncadd.s32 $0xFFFF0000  }
0x93: {  	[hbm4b:s30+s2] =	stream.linear.scatter [tilespmem:s31], [sflag:$0x3], $0x10000, $0x38;
	[tilespmem:$0x11400] =	vst v63  }
0x94: {  	_ =	swait.ge [sflag:s10], $0x10000  }
0x95: {  	[sflag:s10] =	ssyncset.done $0x0  }
0x96: {  	[sflag:s10] =	ssyncadd.s32 $0xFFFF0000  }
0x97: {  	_ =	swait.ge [sflag:s22], $0x80  }
0x98: {  	[sflag:s22] =	ssyncset.done $0x0  }
0x99: {  	[sflag:s22] =	ssyncadd.s32 $0xFFFFFF80  }
0x9a: {  	_ =	swait.ge [sflag:s22], $0x80  }
0x9b: {  	[sflag:s22] =	ssyncset.done $0x0  }
0x9c: {  	[sflag:s22] =	ssyncadd.s32 $0xFFFFFF80  }
0x9d: {  	_ =	swait.ge [sflag:s22], $0x80  }
0x9e: {  	[sflag:s22] =	ssyncset.done $0x0  }
0x9f: {  	[sflag:s22] =	ssyncadd.s32 $0xFFFFFF80  }
0xa0: {  	s23 =	sadd.s32 $0x1, s23;
	_ =	swait.ge [sflag:s22], $0x80  }
0xa1: {  	p0 =	sne.s32 s23, s9;
	[sflag:s22] =	ssyncset.done $0x0  }
.Ltmp1:
0xa2: {  	[sflag:s22] =	ssyncadd.s32 $0xFFFFFF80;
	(pc) =	sbr.rel @p0 .LBB2_1-.Ltmp1, $4  }
0xa3: {  	[hbm4b:s8+s2] =	stream.linear.scatter [tilespmem:s13], [sflag:$0x3], $0x200, $0x38;
	[tilespmem:$0x11400] =	vst v63  }
0xa4: {  	_ =	swait.ge [sflag:s10], $0x200  }
0xa5: {  	[sflag:s10] =	ssyncset.done $0x0  }
0xa6: {  	[sflag:s10] =	ssyncadd.s32 $0xFFFFFE00  }
0xa7: {  	_ =	sfence.sel $0x180000  }
0xa8: {  	[bflag:$0x0] =	sbarrier.arrive $0xFFFF  }
0xa9: {  	_ =	strace $0x90000047  }
0xaa: {  	s0 =	stileid.u32;
	[bflag:$0x2] =	sbarrier.arrive $0xFFFF  }
0xab: {  	p0 =	sne.s32 s0, $0x0;
	s0 =	rddreg [dreg:$0x3]  }
0xac: {  	s0 =	sadd.s32 @!p0 $0x100000, s0  }
0xad: {  	[sflag:s0] =	ssyncadd.tile.s32 @!p0 $0x1;
	_ =	shalt  }
.Lfunc_end2:
_tile_overlayer_lowered:
.L_overlay_start_2:
0xae: {  	(tag) =	ssettag $0x2  }
0xaf: {  	s0 =	rddreg [dreg:$0x0];
	s2 =	stileid.u32  }
0xb0: {  	s1 =	rddreg [dreg:$0x1];
	p0 =	sne.s32 s2, $0x0  }
0xb1: {  	s3 =	rddreg [dreg:$0x2];
	[bflag:$0x3] =	sbarrier.arrive $0xFFFF;
	s2 =	simm.s32 @!p0 $0x1C03  }
0xb2: {  	[timem:s3], [sflag:s2] =	dma.local @!p0 [hbm:s0], s1  }
0xb3: {  	s0 =	simm.s32 @!p0 $0x3  }
0xb4: {  	_ =	swait.ge @!p0 [sflag:s0], s1  }
0xb5: {  	s1 =	ssub.s32 @!p0 $0x0, s1;
	[sflag:s0] =	ssyncset.done @!p0 $0x0  }
0xb6: {  	[sflag:s0] =	ssyncadd.s32 @!p0 s1  }
0xb7: {  	[bflag:$0x3] =	sbarrier.arrive $0xFFFF  }
0xb8: {  	_ =	shalt  }

</sc_bundles>
